<compile_context>
chip_gen: v7x
topology: tpu7x:2x2x1
jax: 0.10.2.dev20260603
libtpu: 0.0.44.dev20260713+nightly
codegen_flags: <defaults>
</compile_context>

<pallas_src>
import functools

import jax
import jax.numpy as jnp
from jax import lax
from jax.experimental import pallas as pl
from jax.experimental.pallas import tpu as pltpu
from jax.experimental.pallas import tpu_sc as plsc

N = 10000
D = 128
D_OUT = 64
E = 320000

NC = 2
NS = 16
NW = NC * NS
CHUNK = 128
CPT = 80
E_PAD = NW * CPT * CHUNK
CPT0 = 114
CPT1 = 46
CPTM = max(CPT0, CPT1)
NPAD = 10112
RPT = NPAD // NS
DEGW = 16
NBUF = 2

_mesh = dict(core_axis_name="c", subcore_axis_name="s", num_cores=NC,
             num_subcores=NS)



@functools.partial(
    pl.kernel,
    out_type=jax.ShapeDtypeStruct((NC, NPAD, DEGW), jnp.float32),
    mesh=plsc.VectorSubcoreMesh(**_mesh),
    scratch_types=[
        pltpu.VMEM((CPT, CHUNK), jnp.int32),
        pltpu.VMEM((CHUNK, DEGW), jnp.float32),
        pltpu.VMEM_SHARED((NPAD, DEGW), jnp.float32),
    ],
)
def _sc_degree(dsts_hbm, zdeg_hbm, out_hbm, dst_v, ones_v, acc_sh):
    c = lax.axis_index("c")
    s = lax.axis_index("s")
    t = c * NS + s
    pltpu.sync_copy(dsts_hbm.at[t], dst_v)

    def fill_ones(j, carry):
        ones_v[j, :] = jnp.ones((DEGW,), jnp.float32)
        return carry

    lax.fori_loop(0, CHUNK, fill_ones, 0)
    pltpu.sync_copy(zdeg_hbm.at[pl.ds(s * RPT, RPT)],
                    acc_sh.at[pl.ds(s * RPT, RPT)])
    plsc.subcore_barrier()

    def body(j, carry):
        pltpu.sync_copy(ones_v, acc_sh.at[dst_v.at[j]], add=True)
        return carry

    lax.fori_loop(0, CPT, body, 0)
    plsc.subcore_barrier()
    pltpu.sync_copy(acc_sh.at[pl.ds(s * RPT, RPT)],
                    out_hbm.at[c, pl.ds(s * RPT, RPT)])


@functools.partial(
    pl.kernel,
    out_type=jax.ShapeDtypeStruct((NC, NPAD, D), jnp.float32),
    mesh=plsc.VectorSubcoreMesh(**_mesh),
    scratch_types=[
        pltpu.VMEM((CPTM, CHUNK), jnp.int32),
        pltpu.VMEM((CPTM, CHUNK), jnp.int32),
        pltpu.VMEM((CHUNK, D), jnp.float32),
        pltpu.VMEM_SHARED((NPAD, D), jnp.float32),
        pltpu.SemaphoreType.DMA,
    ],
)
def _sc_scatter(table_hbm, srcs0_hbm, dsts0_hbm, srcs1_hbm, dsts1_hbm,
                zeros_hbm, out_hbm, src_v, dst_v, rows_v, acc_sh, sem_g):
    c = lax.axis_index("c")
    s = lax.axis_index("s")

    @pl.when(c == 0)
    def _():
        pltpu.sync_copy(srcs0_hbm.at[s], src_v.at[pl.ds(0, CPT0)])
        pltpu.sync_copy(dsts0_hbm.at[s], dst_v.at[pl.ds(0, CPT0)])

    @pl.when(c == 1)
    def _():
        pltpu.sync_copy(srcs1_hbm.at[s], src_v.at[pl.ds(0, CPT1)])
        pltpu.sync_copy(dsts1_hbm.at[s], dst_v.at[pl.ds(0, CPT1)])

    pltpu.sync_copy(zeros_hbm.at[pl.ds(s * RPT, RPT)],
                    acc_sh.at[pl.ds(s * RPT, RPT)])
    plsc.subcore_barrier()

    def body(j, carry):
        pltpu.async_copy(table_hbm.at[src_v.at[j]], rows_v, sem_g).wait()
        pltpu.sync_copy(rows_v, acc_sh.at[dst_v.at[j]], add=True)
        return carry

    @pl.when(c == 0)
    def _():
        lax.fori_loop(0, CPT0, body, 0)

    @pl.when(c == 1)
    def _():
        lax.fori_loop(0, CPT1, body, 0)

    plsc.subcore_barrier()
    pltpu.sync_copy(acc_sh.at[pl.ds(s * RPT, RPT)],
                    out_hbm.at[c, pl.ds(s * RPT, RPT)])



def _tc1_body(degp_ref, x_ref, w1_ref, dinvb_ref, t1_ref):
    degc = degp_ref[0, :, 0:1] + degp_ref[1, :, 0:1] + 1.0
    dinvb = jnp.broadcast_to(lax.rsqrt(degc), (NPAD, D))
    dinvb_ref[...] = dinvb
    xw = jnp.dot(x_ref[...], w1_ref[...], preferred_element_type=jnp.float32)
    t1_ref[...] = xw * dinvb


def _tc_mid_body(p_ref, tk_ref, dinvb_ref, b_ref, g_ref, be_ref, wn_ref,
                 tn_ref):
    dinvb = dinvb_ref[...]
    h = dinvb * (p_ref[0] + p_ref[1] + tk_ref[...]) + b_ref[...]
    r = jnp.maximum(h, 0.0)
    mu = jnp.mean(r, axis=-1, keepdims=True)
    var = jnp.mean((r - mu) ** 2, axis=-1, keepdims=True)
    ln = (r - mu) / jnp.sqrt(var + 1e-5) * g_ref[...] + be_ref[...]
    xw = jnp.dot(ln, wn_ref[...], preferred_element_type=jnp.float32)
    tn_ref[...] = xw * dinvb


def _tc_fin_body(p_ref, t3_ref, dinvb_ref, b3_ref, wp1_ref, bp1_ref,
                 wp2_ref, bp2_ref, sig_ref, emb_ref):
    h3 = dinvb_ref[...] * (p_ref[0] + p_ref[1] + t3_ref[...]) + b3_ref[...]
    emb_ref[...] = h3
    r = jnp.maximum(h3, 0.0)
    z = jnp.dot(r, wp1_ref[...], preferred_element_type=jnp.float32)
    z = z + bp1_ref[...]
    z = jnp.dot(z, wp2_ref[...], preferred_element_type=jnp.float32)
    z = z + bp2_ref[...]
    sig_ref[...] = jax.nn.sigmoid(z)


_tc1 = pl.pallas_call(
    _tc1_body,
    out_shape=(jax.ShapeDtypeStruct((NPAD, D), jnp.float32),
               jax.ShapeDtypeStruct((NPAD, D), jnp.float32)),
)

_tc_mid = pl.pallas_call(
    _tc_mid_body,
    out_shape=jax.ShapeDtypeStruct((NPAD, D), jnp.float32),
)

_tc_fin = pl.pallas_call(
    _tc_fin_body,
    out_shape=(jax.ShapeDtypeStruct((NPAD, D_OUT), jnp.float32),
               jax.ShapeDtypeStruct((NPAD, D), jnp.float32)),
)



def kernel(x, edge_index, edge_attr, batch, W1, b1, W2, b2, W3, b3,
           g1, be1, g2, be2, Wp1, bp1, Wp2, bp2):
    src = edge_index[0]
    dst = edge_index[1]
    pad_e = E_PAD - E
    src_p = jnp.concatenate([src, jnp.zeros((pad_e,), jnp.int32)])
    pad_dst = N + (jnp.arange(pad_e, dtype=jnp.int32) % (NPAD - N))
    dst_p = jnp.concatenate([dst, pad_dst])
    dsts = dst_p.reshape(NW, CPT, CHUNK)
    e0 = NS * CPT0 * CHUNK
    srcs0 = src_p[:e0].reshape(NS, CPT0, CHUNK)
    dsts0 = dst_p[:e0].reshape(NS, CPT0, CHUNK)
    srcs1 = src_p[e0:].reshape(NS, CPT1, CHUNK)
    dsts1 = dst_p[e0:].reshape(NS, CPT1, CHUNK)
    x_pad = jnp.pad(x, ((0, NPAD - N), (0, 0)))
    zeros_big = jnp.zeros((NPAD, D), jnp.float32)
    zeros_deg = jnp.zeros((NPAD, DEGW), jnp.float32)

    degp = _sc_degree(dsts, zeros_deg)
    dinvb, t1 = _tc1(degp, x_pad, W1)
    p1 = _sc_scatter(t1, srcs0, dsts0, srcs1, dsts1, zeros_big)
    t2 = _tc_mid(p1, t1, dinvb, b1, g1, be1, W2)
    p2 = _sc_scatter(t2, srcs0, dsts0, srcs1, dsts1, zeros_big)
    t3 = _tc_mid(p2, t2, dinvb, b2, g2, be2, W3)
    p3 = _sc_scatter(t3, srcs0, dsts0, srcs1, dsts1, zeros_big)
    sig, emb = _tc_fin(p3, t3, dinvb, b3, Wp1, bp1, Wp2, bp2)
    return (sig[:N], emb[:N])

# --- scband reference (transcript-rebuilt; emitter-appended) ---
"""Pipeline reference for scband-gnnstanford-87316685128357 (READ-ONLY COPY).

The authoritative reference and input builder live on the scoring server;
editing this copy changes nothing except your own understanding.
"""

import jax, jax.numpy as jnp
import numpy as np

N_NODES = 10000
N_EDGES = 320000
D_IN = 128
D_HID = 128
D_DENSE = 128
D_OUT = 64


def setup_inputs(seed: int = 0) -> dict:
    key = jax.random.key(seed)
    ks = jax.random.split(key, 24)
    s = 0.05
    inp = {}
    inp["x"] = jax.random.normal(ks[0], (N_NODES, D_IN), dtype=jnp.float32)
    inp["edge_index"] = jax.random.randint(ks[1], (2, N_EDGES), 0, N_NODES, dtype=jnp.int32)
    inp["edge_attr"] = jax.random.normal(ks[2], (N_EDGES, 4), dtype=jnp.float32)
    inp["batch"] = jnp.zeros((N_NODES,), dtype=jnp.int32)
    # GCNConv layer params
    inp["W1"] = jax.random.normal(ks[3], (D_IN, D_HID), dtype=jnp.float32) * s
    inp["b1"] = jnp.zeros((D_HID,), dtype=jnp.float32)
    inp["W2"] = jax.random.normal(ks[4], (D_HID, D_HID), dtype=jnp.float32) * s
    inp["b2"] = jnp.zeros((D_HID,), dtype=jnp.float32)
    inp["W3"] = jax.random.normal(ks[5], (D_HID, D_HID), dtype=jnp.float32) * s
    inp["b3"] = jnp.zeros((D_HID,), dtype=jnp.float32)
    # LayerNorm params
    inp["g1"] = jnp.ones((D_HID,), dtype=jnp.float32)
    inp["be1"] = jnp.zeros((D_HID,), dtype=jnp.float32)
    inp["g2"] = jnp.ones((D_HID,), dtype=jnp.float32)
    inp["be2"] = jnp.zeros((D_HID,), dtype=jnp.float32)
    # post_mp params
    inp["Wp1"] = jax.random.normal(ks[6], (D_HID, D_DENSE), dtype=jnp.float32) * s
    inp["bp1"] = jnp.zeros((D_DENSE,), dtype=jnp.float32)
    inp["Wp2"] = jax.random.normal(ks[7], (D_DENSE, D_OUT), dtype=jnp.float32) * s
    inp["bp2"] = jnp.zeros((D_OUT,), dtype=jnp.float32)
    return inp


def _gcn_conv(x, src, dst, W, b, n):
    xw = x @ W
    loop = jnp.arange(n, dtype=src.dtype)
    s = jnp.concatenate([src, loop])
    d = jnp.concatenate([dst, loop])
    deg = jnp.zeros((n,), x.dtype).at[d].add(1.0)
    dinv = jax.lax.rsqrt(deg)
    norm = dinv[s] * dinv[d]
    msg = jnp.take(xw, s, axis=0) * norm[:, None]
    out = jnp.zeros((n, W.shape[1]), x.dtype).at[d].add(msg)
    return out + b


def _layernorm(x, g, b, eps=1e-5):
    mu = jnp.mean(x, axis=-1, keepdims=True)
    var = jnp.mean((x - mu) ** 2, axis=-1, keepdims=True)
    return (x - mu) / jnp.sqrt(var + eps) * g + b


def reference(x, edge_index, edge_attr, batch, W1, b1, W2, b2, W3, b3, g1, be1, g2, be2, Wp1, bp1, Wp2, bp2):
    # dropout is identity in eval-style reference
    n = x.shape[0]
    src = edge_index[0]
    dst = edge_index[1]
    h = _gcn_conv(x, src, dst, W1, b1, n)
    emb = h
    h = jax.nn.relu(h)
    h = _layernorm(h, g1, be1)
    h = _gcn_conv(h, src, dst, W2, b2, n)
    emb = h
    h = jax.nn.relu(h)
    h = _layernorm(h, g2, be2)
    h = _gcn_conv(h, src, dst, W3, b3, n)
    emb = h
    h = jax.nn.relu(h)
    # task == 'hetero': no global pooling
    h = h @ Wp1 + bp1
    h = h @ Wp2 + bp2
    return (jax.nn.sigmoid(h), emb)

if __name__ == "__main__":
    import jax
    _d = setup_inputs()
    print(jax.jit(kernel)(*tuple(_d.values())))

</pallas_src>

<mosaic_0001>
#map = affine_map<(d0, d1) -> (0, 0)>
#map1 = affine_map<(d0, d1) -> (0, 0, 0)>
module attributes {stable_mosaic.version = 14 : i64} {
  func.func @_sc_scatter(%arg0: i32, %arg1: i32, %arg2: memref<10112x128xf32, #tpu.memory_space<hbm>>, %arg3: memref<16x114x128xi32, #tpu.memory_space<hbm>>, %arg4: memref<16x114x128xi32, #tpu.memory_space<hbm>>, %arg5: memref<16x46x128xi32, #tpu.memory_space<hbm>>, %arg6: memref<16x46x128xi32, #tpu.memory_space<hbm>>, %arg7: memref<10112x128xf32, #tpu.memory_space<hbm>>, %arg8: memref<2x10112x128xf32, #tpu.memory_space<hbm>>, %arg9: memref<114x128xi32, #tpu.memory_space<vmem>>, %arg10: memref<114x128xi32, #tpu.memory_space<vmem>>, %arg11: memref<128x128xf32, #tpu.memory_space<vmem>>, %arg12: memref<10112x128xf32, #tpu.memory_space<vmem_shared>>, %arg13: memref<!tpu.dma_semaphore, #tpu.memory_space<semaphore_mem>>) attributes {dimension_semantics = [#tpu.dimension_semantics<core_parallel>, #tpu.dimension_semantics<subcore_parallel>], iteration_bounds = array<i64: 2, 16>, scalar_prefetch = 0 : i64, scratch_operands = 5 : i64, tpu.core_type = #tpu.core_type<sc_vector_subcore>, window_params = [{transform_indices = #map}, {transform_indices = #map1}, {transform_indices = #map1}, {transform_indices = #map1}, {transform_indices = #map1}, {transform_indices = #map}, {transform_indices = #map1}]} {
    %eq3A = arith.constant 0 : i32
    %eq3A_0 = arith.cmpi eq, %arg0, %eq3A : i32
    %convert_element_type3A = arith.extui %eq3A_0 : i1 to i32
    %cond3A = arith.constant 0 : i32
    %cond3A_1 = arith.cmpi ne, %convert_element_type3A, %cond3A : i32
    scf.if %cond3A_1 {
      "tpu.region"() ({
        %run_scoped3A = tpu.sem_alloc : memref<!tpu.dma_semaphore, #tpu.memory_space<semaphore_mem>>
        %dma_start3A = arith.constant 0 : i32
        %dma_start3A_25 = arith.constant 0 : i32
        %dma_start3A_26 = tpu.memref_slice %arg9[%dma_start3A, %dma_start3A_25] : memref<114x128xi32, #tpu.memory_space<vmem>> -> memref<114x128xi32, #tpu.memory_space<vmem>>
        %dma_start3A_27 = arith.constant 0 : i32
        %dma_start3A_28 = arith.constant 0 : i32
        %dma_start3A_29 = tpu.memref_slice %arg3[%arg1, %dma_start3A_27, %dma_start3A_28] : memref<16x114x128xi32, #tpu.memory_space<hbm>> -> memref<1x114x128xi32, #tpu.memory_space<hbm>>
        %dma_start3A_30 = tpu.memref_squeeze %dma_start3A_29 : memref<1x114x128xi32, #tpu.memory_space<hbm>> -> memref<114x128xi32, #tpu.memory_space<hbm>>
        %dma_start3A_31 = arith.constant 0 : i32
        %dma_start3A_32 = arith.constant 0 : i32
        %dma_start3A_33 = tpu.memref_slice %arg9[%dma_start3A_31, %dma_start3A_32] : memref<114x128xi32, #tpu.memory_space<vmem>> -> memref<114x128xi32, #tpu.memory_space<vmem>>
        %dma_start3A_34 = arith.constant 0 : i32
        %dma_start3A_35 = arith.constant 0 : i32
        %dma_start3A_36 = tpu.memref_slice %arg3[%arg1, %dma_start3A_34, %dma_start3A_35] : memref<16x114x128xi32, #tpu.memory_space<hbm>> -> memref<1x114x128xi32, #tpu.memory_space<hbm>>
        %dma_start3A_37 = tpu.memref_squeeze %dma_start3A_36 : memref<1x114x128xi32, #tpu.memory_space<hbm>> -> memref<114x128xi32, #tpu.memory_space<hbm>>
        tpu.enqueue_dma source(%dma_start3A_37 : memref<114x128xi32, #tpu.memory_space<hbm>>) target(%dma_start3A_33 : memref<114x128xi32, #tpu.memory_space<vmem>>) target_semaphore(%run_scoped3A : memref<!tpu.dma_semaphore, #tpu.memory_space<semaphore_mem>>)
        %dma_wait3A = arith.constant 0 : i32
        %dma_wait3A_38 = arith.constant 0 : i32
        %dma_wait3A_39 = tpu.memref_slice %arg9[%dma_wait3A, %dma_wait3A_38] : memref<114x128xi32, #tpu.memory_space<vmem>> -> memref<114x128xi32, #tpu.memory_space<vmem>>
        %dma_wait3A_40 = arith.constant 0 : i32
        %dma_wait3A_41 = arith.constant 0 : i32
        %dma_wait3A_42 = tpu.memref_slice %arg3[%arg1, %dma_wait3A_40, %dma_wait3A_41] : memref<16x114x128xi32, #tpu.memory_space<hbm>> -> memref<1x114x128xi32, #tpu.memory_space<hbm>>
        %dma_wait3A_43 = tpu.memref_squeeze %dma_wait3A_42 : memref<1x114x128xi32, #tpu.memory_space<hbm>> -> memref<114x128xi32, #tpu.memory_space<hbm>>
        %dma_wait3A_44 = arith.constant 0 : i32
        %dma_wait3A_45 = arith.constant 0 : i32
        %dma_wait3A_46 = tpu.memref_slice %arg9[%dma_wait3A_44, %dma_wait3A_45] : memref<114x128xi32, #tpu.memory_space<vmem>> -> memref<114x128xi32, #tpu.memory_space<vmem>>
        %dma_wait3A_47 = arith.constant 0 : i32
        %dma_wait3A_48 = arith.constant 0 : i32
        %dma_wait3A_49 = tpu.memref_slice %arg3[%arg1, %dma_wait3A_47, %dma_wait3A_48] : memref<16x114x128xi32, #tpu.memory_space<hbm>> -> memref<1x114x128xi32, #tpu.memory_space<hbm>>
        %dma_wait3A_50 = tpu.memref_squeeze %dma_wait3A_49 : memref<1x114x128xi32, #tpu.memory_space<hbm>> -> memref<114x128xi32, #tpu.memory_space<hbm>>
        tpu.wait_dma2 semaphore(%run_scoped3A : memref<!tpu.dma_semaphore, #tpu.memory_space<semaphore_mem>>) src(%dma_wait3A_50 : memref<114x128xi32, #tpu.memory_space<hbm>>) dst(%dma_wait3A_46 : memref<114x128xi32, #tpu.memory_space<vmem>>)
        tpu.yield
      }) : () -> ()
      "tpu.region"() ({
        %run_scoped3A = tpu.sem_alloc : memref<!tpu.dma_semaphore, #tpu.memory_space<semaphore_mem>>
        %dma_start3A = arith.constant 0 : i32
        %dma_start3A_25 = arith.constant 0 : i32
        %dma_start3A_26 = tpu.memref_slice %arg10[%dma_start3A, %dma_start3A_25] : memref<114x128xi32, #tpu.memory_space<vmem>> -> memref<114x128xi32, #tpu.memory_space<vmem>>
        %dma_start3A_27 = arith.constant 0 : i32
        %dma_start3A_28 = arith.constant 0 : i32
        %dma_start3A_29 = tpu.memref_slice %arg4[%arg1, %dma_start3A_27, %dma_start3A_28] : memref<16x114x128xi32, #tpu.memory_space<hbm>> -> memref<1x114x128xi32, #tpu.memory_space<hbm>>
        %dma_start3A_30 = tpu.memref_squeeze %dma_start3A_29 : memref<1x114x128xi32, #tpu.memory_space<hbm>> -> memref<114x128xi32, #tpu.memory_space<hbm>>
        %dma_start3A_31 = arith.constant 0 : i32
        %dma_start3A_32 = arith.constant 0 : i32
        %dma_start3A_33 = tpu.memref_slice %arg10[%dma_start3A_31, %dma_start3A_32] : memref<114x128xi32, #tpu.memory_space<vmem>> -> memref<114x128xi32, #tpu.memory_space<vmem>>
        %dma_start3A_34 = arith.constant 0 : i32
        %dma_start3A_35 = arith.constant 0 : i32
        %dma_start3A_36 = tpu.memref_slice %arg4[%arg1, %dma_start3A_34, %dma_start3A_35] : memref<16x114x128xi32, #tpu.memory_space<hbm>> -> memref<1x114x128xi32, #tpu.memory_space<hbm>>
        %dma_start3A_37 = tpu.memref_squeeze %dma_start3A_36 : memref<1x114x128xi32, #tpu.memory_space<hbm>> -> memref<114x128xi32, #tpu.memory_space<hbm>>
        tpu.enqueue_dma source(%dma_start3A_37 : memref<114x128xi32, #tpu.memory_space<hbm>>) target(%dma_start3A_33 : memref<114x128xi32, #tpu.memory_space<vmem>>) target_semaphore(%run_scoped3A : memref<!tpu.dma_semaphore, #tpu.memory_space<semaphore_mem>>)
        %dma_wait3A = arith.constant 0 : i32
        %dma_wait3A_38 = arith.constant 0 : i32
        %dma_wait3A_39 = tpu.memref_slice %arg10[%dma_wait3A, %dma_wait3A_38] : memref<114x128xi32, #tpu.memory_space<vmem>> -> memref<114x128xi32, #tpu.memory_space<vmem>>
        %dma_wait3A_40 = arith.constant 0 : i32
        %dma_wait3A_41 = arith.constant 0 : i32
        %dma_wait3A_42 = tpu.memref_slice %arg4[%arg1, %dma_wait3A_40, %dma_wait3A_41] : memref<16x114x128xi32, #tpu.memory_space<hbm>> -> memref<1x114x128xi32, #tpu.memory_space<hbm>>
        %dma_wait3A_43 = tpu.memref_squeeze %dma_wait3A_42 : memref<1x114x128xi32, #tpu.memory_space<hbm>> -> memref<114x128xi32, #tpu.memory_space<hbm>>
        %dma_wait3A_44 = arith.constant 0 : i32
        %dma_wait3A_45 = arith.constant 0 : i32
        %dma_wait3A_46 = tpu.memref_slice %arg10[%dma_wait3A_44, %dma_wait3A_45] : memref<114x128xi32, #tpu.memory_space<vmem>> -> memref<114x128xi32, #tpu.memory_space<vmem>>
        %dma_wait3A_47 = arith.constant 0 : i32
        %dma_wait3A_48 = arith.constant 0 : i32
        %dma_wait3A_49 = tpu.memref_slice %arg4[%arg1, %dma_wait3A_47, %dma_wait3A_48] : memref<16x114x128xi32, #tpu.memory_space<hbm>> -> memref<1x114x128xi32, #tpu.memory_space<hbm>>
        %dma_wait3A_50 = tpu.memref_squeeze %dma_wait3A_49 : memref<1x114x128xi32, #tpu.memory_space<hbm>> -> memref<114x128xi32, #tpu.memory_space<hbm>>
        tpu.wait_dma2 semaphore(%run_scoped3A : memref<!tpu.dma_semaphore, #tpu.memory_space<semaphore_mem>>) src(%dma_wait3A_50 : memref<114x128xi32, #tpu.memory_space<hbm>>) dst(%dma_wait3A_46 : memref<114x128xi32, #tpu.memory_space<vmem>>)
        tpu.yield
      }) : () -> ()
    } else {
    }
    %eq3A_2 = arith.constant 1 : i32
    %eq3A_3 = arith.cmpi eq, %arg0, %eq3A_2 : i32
    %convert_element_type3A_4 = arith.extui %eq3A_3 : i1 to i32
    %cond3A_5 = arith.constant 0 : i32
    %cond3A_6 = arith.cmpi ne, %convert_element_type3A_4, %cond3A_5 : i32
    scf.if %cond3A_6 {
      "tpu.region"() ({
        %run_scoped3A = tpu.sem_alloc : memref<!tpu.dma_semaphore, #tpu.memory_space<semaphore_mem>>
        %dma_start3A = arith.constant 0 : i32
        %dma_start3A_25 = arith.constant 0 : i32
        %dma_start3A_26 = tpu.memref_slice %arg9[%dma_start3A, %dma_start3A_25] : memref<114x128xi32, #tpu.memory_space<vmem>> -> memref<46x128xi32, #tpu.memory_space<vmem>>
        %dma_start3A_27 = arith.constant 0 : i32
        %dma_start3A_28 = arith.constant 0 : i32
        %dma_start3A_29 = tpu.memref_slice %arg5[%arg1, %dma_start3A_27, %dma_start3A_28] : memref<16x46x128xi32, #tpu.memory_space<hbm>> -> memref<1x46x128xi32, #tpu.memory_space<hbm>>
        %dma_start3A_30 = tpu.memref_squeeze %dma_start3A_29 : memref<1x46x128xi32, #tpu.memory_space<hbm>> -> memref<46x128xi32, #tpu.memory_space<hbm>>
        %dma_start3A_31 = arith.constant 0 : i32
        %dma_start3A_32 = arith.constant 0 : i32
        %dma_start3A_33 = tpu.memref_slice %arg9[%dma_start3A_31, %dma_start3A_32] : memref<114x128xi32, #tpu.memory_space<vmem>> -> memref<46x128xi32, #tpu.memory_space<vmem>>
        %dma_start3A_34 = arith.constant 0 : i32
        %dma_start3A_35 = arith.constant 0 : i32
        %dma_start3A_36 = tpu.memref_slice %arg5[%arg1, %dma_start3A_34, %dma_start3A_35] : memref<16x46x128xi32, #tpu.memory_space<hbm>> -> memref<1x46x128xi32, #tpu.memory_space<hbm>>
        %dma_start3A_37 = tpu.memref_squeeze %dma_start3A_36 : memref<1x46x128xi32, #tpu.memory_space<hbm>> -> memref<46x128xi32, #tpu.memory_space<hbm>>
        tpu.enqueue_dma source(%dma_start3A_37 : memref<46x128xi32, #tpu.memory_space<hbm>>) target(%dma_start3A_33 : memref<46x128xi32, #tpu.memory_space<vmem>>) target_semaphore(%run_scoped3A : memref<!tpu.dma_semaphore, #tpu.memory_space<semaphore_mem>>)
        %dma_wait3A = arith.constant 0 : i32
        %dma_wait3A_38 = arith.constant 0 : i32
        %dma_wait3A_39 = tpu.memref_slice %arg9[%dma_wait3A, %dma_wait3A_38] : memref<114x128xi32, #tpu.memory_space<vmem>> -> memref<46x128xi32, #tpu.memory_space<vmem>>
        %dma_wait3A_40 = arith.constant 0 : i32
        %dma_wait3A_41 = arith.constant 0 : i32
        %dma_wait3A_42 = tpu.memref_slice %arg5[%arg1, %dma_wait3A_40, %dma_wait3A_41] : memref<16x46x128xi32, #tpu.memory_space<hbm>> -> memref<1x46x128xi32, #tpu.memory_space<hbm>>
        %dma_wait3A_43 = tpu.memref_squeeze %dma_wait3A_42 : memref<1x46x128xi32, #tpu.memory_space<hbm>> -> memref<46x128xi32, #tpu.memory_space<hbm>>
        %dma_wait3A_44 = arith.constant 0 : i32
        %dma_wait3A_45 = arith.constant 0 : i32
        %dma_wait3A_46 = tpu.memref_slice %arg9[%dma_wait3A_44, %dma_wait3A_45] : memref<114x128xi32, #tpu.memory_space<vmem>> -> memref<46x128xi32, #tpu.memory_space<vmem>>
        %dma_wait3A_47 = arith.constant 0 : i32
        %dma_wait3A_48 = arith.constant 0 : i32
        %dma_wait3A_49 = tpu.memref_slice %arg5[%arg1, %dma_wait3A_47, %dma_wait3A_48] : memref<16x46x128xi32, #tpu.memory_space<hbm>> -> memref<1x46x128xi32, #tpu.memory_space<hbm>>
        %dma_wait3A_50 = tpu.memref_squeeze %dma_wait3A_49 : memref<1x46x128xi32, #tpu.memory_space<hbm>> -> memref<46x128xi32, #tpu.memory_space<hbm>>
        tpu.wait_dma2 semaphore(%run_scoped3A : memref<!tpu.dma_semaphore, #tpu.memory_space<semaphore_mem>>) src(%dma_wait3A_50 : memref<46x128xi32, #tpu.memory_space<hbm>>) dst(%dma_wait3A_46 : memref<46x128xi32, #tpu.memory_space<vmem>>)
        tpu.yield
      }) : () -> ()
      "tpu.region"() ({
        %run_scoped3A = tpu.sem_alloc : memref<!tpu.dma_semaphore, #tpu.memory_space<semaphore_mem>>
        %dma_start3A = arith.constant 0 : i32
        %dma_start3A_25 = arith.constant 0 : i32
        %dma_start3A_26 = tpu.memref_slice %arg10[%dma_start3A, %dma_start3A_25] : memref<114x128xi32, #tpu.memory_space<vmem>> -> memref<46x128xi32, #tpu.memory_space<vmem>>
        %dma_start3A_27 = arith.constant 0 : i32
        %dma_start3A_28 = arith.constant 0 : i32
        %dma_start3A_29 = tpu.memref_slice %arg6[%arg1, %dma_start3A_27, %dma_start3A_28] : memref<16x46x128xi32, #tpu.memory_space<hbm>> -> memref<1x46x128xi32, #tpu.memory_space<hbm>>
        %dma_start3A_30 = tpu.memref_squeeze %dma_start3A_29 : memref<1x46x128xi32, #tpu.memory_space<hbm>> -> memref<46x128xi32, #tpu.memory_space<hbm>>
        %dma_start3A_31 = arith.constant 0 : i32
        %dma_start3A_32 = arith.constant 0 : i32
        %dma_start3A_33 = tpu.memref_slice %arg10[%dma_start3A_31, %dma_start3A_32] : memref<114x128xi32, #tpu.memory_space<vmem>> -> memref<46x128xi32, #tpu.memory_space<vmem>>
        %dma_start3A_34 = arith.constant 0 : i32
        %dma_start3A_35 = arith.constant 0 : i32
        %dma_start3A_36 = tpu.memref_slice %arg6[%arg1, %dma_start3A_34, %dma_start3A_35] : memref<16x46x128xi32, #tpu.memory_space<hbm>> -> memref<1x46x128xi32, #tpu.memory_space<hbm>>
        %dma_start3A_37 = tpu.memref_squeeze %dma_start3A_36 : memref<1x46x128xi32, #tpu.memory_space<hbm>> -> memref<46x128xi32, #tpu.memory_space<hbm>>
        tpu.enqueue_dma source(%dma_start3A_37 : memref<46x128xi32, #tpu.memory_space<hbm>>) target(%dma_start3A_33 : memref<46x128xi32, #tpu.memory_space<vmem>>) target_semaphore(%run_scoped3A : memref<!tpu.dma_semaphore, #tpu.memory_space<semaphore_mem>>)
        %dma_wait3A = arith.constant 0 : i32
        %dma_wait3A_38 = arith.constant 0 : i32
        %dma_wait3A_39 = tpu.memref_slice %arg10[%dma_wait3A, %dma_wait3A_38] : memref<114x128xi32, #tpu.memory_space<vmem>> -> memref<46x128xi32, #tpu.memory_space<vmem>>
        %dma_wait3A_40 = arith.constant 0 : i32
        %dma_wait3A_41 = arith.constant 0 : i32
        %dma_wait3A_42 = tpu.memref_slice %arg6[%arg1, %dma_wait3A_40, %dma_wait3A_41] : memref<16x46x128xi32, #tpu.memory_space<hbm>> -> memref<1x46x128xi32, #tpu.memory_space<hbm>>
        %dma_wait3A_43 = tpu.memref_squeeze %dma_wait3A_42 : memref<1x46x128xi32, #tpu.memory_space<hbm>> -> memref<46x128xi32, #tpu.memory_space<hbm>>
        %dma_wait3A_44 = arith.constant 0 : i32
        %dma_wait3A_45 = arith.constant 0 : i32
        %dma_wait3A_46 = tpu.memref_slice %arg10[%dma_wait3A_44, %dma_wait3A_45] : memref<114x128xi32, #tpu.memory_space<vmem>> -> memref<46x128xi32, #tpu.memory_space<vmem>>
        %dma_wait3A_47 = arith.constant 0 : i32
        %dma_wait3A_48 = arith.constant 0 : i32
        %dma_wait3A_49 = tpu.memref_slice %arg6[%arg1, %dma_wait3A_47, %dma_wait3A_48] : memref<16x46x128xi32, #tpu.memory_space<hbm>> -> memref<1x46x128xi32, #tpu.memory_space<hbm>>
        %dma_wait3A_50 = tpu.memref_squeeze %dma_wait3A_49 : memref<1x46x128xi32, #tpu.memory_space<hbm>> -> memref<46x128xi32, #tpu.memory_space<hbm>>
        tpu.wait_dma2 semaphore(%run_scoped3A : memref<!tpu.dma_semaphore, #tpu.memory_space<semaphore_mem>>) src(%dma_wait3A_50 : memref<46x128xi32, #tpu.memory_space<hbm>>) dst(%dma_wait3A_46 : memref<46x128xi32, #tpu.memory_space<vmem>>)
        tpu.yield
      }) : () -> ()
    } else {
    }
    %mul3A = arith.constant 632 : i32
    %mul3A_7 = arith.muli %arg1, %mul3A : i32
    %mul3A_8 = arith.constant 632 : i32
    %mul3A_9 = arith.muli %arg1, %mul3A_8 : i32
    "tpu.region"() ({
      %run_scoped3A = tpu.sem_alloc : memref<!tpu.dma_semaphore, #tpu.memory_space<semaphore_mem>>
      %dma_start3A = arith.constant 0 : i32
      %dma_start3A_25 = tpu.memref_slice %arg12[%mul3A_9, %dma_start3A] : memref<10112x128xf32, #tpu.memory_space<vmem_shared>> -> memref<632x128xf32, #tpu.memory_space<vmem_shared>>
      %dma_start3A_26 = arith.constant 0 : i32
      %dma_start3A_27 = tpu.memref_slice %arg7[%mul3A_7, %dma_start3A_26] : memref<10112x128xf32, #tpu.memory_space<hbm>> -> memref<632x128xf32, #tpu.memory_space<hbm>>
      tpu.enqueue_dma source(%dma_start3A_27 : memref<632x128xf32, #tpu.memory_space<hbm>>) target(%dma_start3A_25 : memref<632x128xf32, #tpu.memory_space<vmem_shared>>) target_semaphore(%run_scoped3A : memref<!tpu.dma_semaphore, #tpu.memory_space<semaphore_mem>>)
      %dma_wait3A = arith.constant 0 : i32
      %dma_wait3A_28 = tpu.memref_slice %arg12[%mul3A_9, %dma_wait3A] : memref<10112x128xf32, #tpu.memory_space<vmem_shared>> -> memref<632x128xf32, #tpu.memory_space<vmem_shared>>
      %dma_wait3A_29 = arith.constant 0 : i32
      %dma_wait3A_30 = tpu.memref_slice %arg7[%mul3A_7, %dma_wait3A_29] : memref<10112x128xf32, #tpu.memory_space<hbm>> -> memref<632x128xf32, #tpu.memory_space<hbm>>
      tpu.wait_dma2 semaphore(%run_scoped3A : memref<!tpu.dma_semaphore, #tpu.memory_space<semaphore_mem>>) src(%dma_wait3A_30 : memref<632x128xf32, #tpu.memory_space<hbm>>) dst(%dma_wait3A_28 : memref<632x128xf32, #tpu.memory_space<vmem_shared>>)
      tpu.yield
    }) : () -> ()
    %barrier3A = arith.constant 0 : index
    tpu.barrier barrier_id(%barrier3A)
    %eq3A_10 = arith.constant 0 : i32
    %eq3A_11 = arith.cmpi eq, %arg0, %eq3A_10 : i32
    %convert_element_type3A_12 = arith.extui %eq3A_11 : i1 to i32
    %cond3A_13 = arith.constant 0 : i32
    %cond3A_14 = arith.cmpi ne, %convert_element_type3A_12, %cond3A_13 : i32
    scf.if %cond3A_14 {
      %scan3A = arith.constant 0 : i32
      %scan3A_25 = arith.constant 0 : i32
      %scan3A_26 = arith.constant 114 : i32
      %scan3A_27 = arith.addi %scan3A_25, %scan3A_26 : i32
      %scan3A_28 = arith.constant 1 : i32
      scf.for %scan3A_30 = %scan3A_25 to %scan3A_27 step %scan3A_28  : i32 {
        %dma_start3A = arith.constant 0 : i32
        %dma_start3A_31 = tpu.memref_slice %arg9[%scan3A_30, %dma_start3A] : memref<114x128xi32, #tpu.memory_space<vmem>> -> memref<1x128xi32, #tpu.memory_space<vmem>>
        %dma_start3A_32 = tpu.memref_squeeze %dma_start3A_31 : memref<1x128xi32, #tpu.memory_space<vmem>> -> memref<128xi32, #tpu.memory_space<vmem>>
        %dma_start3A_33 = arith.constant 0 : i32
        %dma_start3A_34 = arith.constant 0 : i32
        %dma_start3A_35 = tpu.memref_slice %arg2[%dma_start3A_33, %dma_start3A_34] : memref<10112x128xf32, #tpu.memory_space<hbm>> -> memref<10112x128xf32, #tpu.memory_space<hbm>>
        tpu.enqueue_indirect_dma source(%dma_start3A_35 : memref<10112x128xf32, #tpu.memory_space<hbm>>) target(%arg11 : memref<128x128xf32, #tpu.memory_space<vmem>>) offsets(%dma_start3A_32 : memref<128xi32, #tpu.memory_space<vmem>>) semaphore(%arg13 : memref<!tpu.dma_semaphore, #tpu.memory_space<semaphore_mem>>)
        %dma_wait3A = arith.constant 0 : i32
        %dma_wait3A_36 = tpu.memref_slice %arg9[%scan3A_30, %dma_wait3A] : memref<114x128xi32, #tpu.memory_space<vmem>> -> memref<1x128xi32, #tpu.memory_space<vmem>>
        %dma_wait3A_37 = tpu.memref_squeeze %dma_wait3A_36 : memref<1x128xi32, #tpu.memory_space<vmem>> -> memref<128xi32, #tpu.memory_space<vmem>>
        %dma_wait3A_38 = arith.constant 0 : i32
        %dma_wait3A_39 = arith.constant 0 : i32
        %dma_wait3A_40 = tpu.memref_slice %arg2[%dma_wait3A_38, %dma_wait3A_39] : memref<10112x128xf32, #tpu.memory_space<hbm>> -> memref<10112x128xf32, #tpu.memory_space<hbm>>
        tpu.wait_indirect_dma semaphore(%arg13 : memref<!tpu.dma_semaphore, #tpu.memory_space<semaphore_mem>>) src(%dma_wait3A_40 : memref<10112x128xf32, #tpu.memory_space<hbm>>) dst(%arg11 : memref<128x128xf32, #tpu.memory_space<vmem>>)
        "tpu.region"() ({
          %run_scoped3A = tpu.sem_alloc : memref<!tpu.dma_semaphore, #tpu.memory_space<semaphore_mem>>
          %dma_start3A_41 = arith.constant 0 : i32
          %dma_start3A_42 = tpu.memref_slice %arg10[%scan3A_30, %dma_start3A_41] : memref<114x128xi32, #tpu.memory_space<vmem>> -> memref<1x128xi32, #tpu.memory_space<vmem>>
          %dma_start3A_43 = tpu.memref_squeeze %dma_start3A_42 : memref<1x128xi32, #tpu.memory_space<vmem>> -> memref<128xi32, #tpu.memory_space<vmem>>
          %dma_start3A_44 = arith.constant 0 : i32
          %dma_start3A_45 = arith.constant 0 : i32
          %dma_start3A_46 = tpu.memref_slice %arg12[%dma_start3A_44, %dma_start3A_45] : memref<10112x128xf32, #tpu.memory_space<vmem_shared>> -> memref<10112x128xf32, #tpu.memory_space<vmem_shared>>
          tpu.enqueue_indirect_dma source(%arg11 : memref<128x128xf32, #tpu.memory_space<vmem>>) target(%dma_start3A_46 : memref<10112x128xf32, #tpu.memory_space<vmem_shared>>) offsets(%dma_start3A_43 : memref<128xi32, #tpu.memory_space<vmem>>) semaphore(%run_scoped3A : memref<!tpu.dma_semaphore, #tpu.memory_space<semaphore_mem>>) {add = true}
          %dma_wait3A_47 = arith.constant 0 : i32
          %dma_wait3A_48 = tpu.memref_slice %arg10[%scan3A_30, %dma_wait3A_47] : memref<114x128xi32, #tpu.memory_space<vmem>> -> memref<1x128xi32, #tpu.memory_space<vmem>>
          %dma_wait3A_49 = tpu.memref_squeeze %dma_wait3A_48 : memref<1x128xi32, #tpu.memory_space<vmem>> -> memref<128xi32, #tpu.memory_space<vmem>>
          %dma_wait3A_50 = arith.constant 0 : i32
          %dma_wait3A_51 = arith.constant 0 : i32
          %dma_wait3A_52 = tpu.memref_slice %arg12[%dma_wait3A_50, %dma_wait3A_51] : memref<10112x128xf32, #tpu.memory_space<vmem_shared>> -> memref<10112x128xf32, #tpu.memory_space<vmem_shared>>
          tpu.wait_indirect_dma semaphore(%run_scoped3A : memref<!tpu.dma_semaphore, #tpu.memory_space<semaphore_mem>>) src(%arg11 : memref<128x128xf32, #tpu.memory_space<vmem>>) dst(%dma_wait3A_52 : memref<10112x128xf32, #tpu.memory_space<vmem_shared>>)
          tpu.yield
        }) : () -> ()
      }
      %scan3A_29 = arith.constant 114 : i32
    } else {
    }
    %eq3A_15 = arith.constant 1 : i32
    %eq3A_16 = arith.cmpi eq, %arg0, %eq3A_15 : i32
    %convert_element_type3A_17 = arith.extui %eq3A_16 : i1 to i32
    %cond3A_18 = arith.constant 0 : i32
    %cond3A_19 = arith.cmpi ne, %convert_element_type3A_17, %cond3A_18 : i32
    scf.if %cond3A_19 {
      %scan3A = arith.constant 0 : i32
      %scan3A_25 = arith.constant 0 : i32
      %scan3A_26 = arith.constant 46 : i32
      %scan3A_27 = arith.addi %scan3A_25, %scan3A_26 : i32
      %scan3A_28 = arith.constant 1 : i32
      scf.for %scan3A_30 = %scan3A_25 to %scan3A_27 step %scan3A_28  : i32 {
        %dma_start3A = arith.constant 0 : i32
        %dma_start3A_31 = tpu.memref_slice %arg9[%scan3A_30, %dma_start3A] : memref<114x128xi32, #tpu.memory_space<vmem>> -> memref<1x128xi32, #tpu.memory_space<vmem>>
        %dma_start3A_32 = tpu.memref_squeeze %dma_start3A_31 : memref<1x128xi32, #tpu.memory_space<vmem>> -> memref<128xi32, #tpu.memory_space<vmem>>
        %dma_start3A_33 = arith.constant 0 : i32
        %dma_start3A_34 = arith.constant 0 : i32
        %dma_start3A_35 = tpu.memref_slice %arg2[%dma_start3A_33, %dma_start3A_34] : memref<10112x128xf32, #tpu.memory_space<hbm>> -> memref<10112x128xf32, #tpu.memory_space<hbm>>
        tpu.enqueue_indirect_dma source(%dma_start3A_35 : memref<10112x128xf32, #tpu.memory_space<hbm>>) target(%arg11 : memref<128x128xf32, #tpu.memory_space<vmem>>) offsets(%dma_start3A_32 : memref<128xi32, #tpu.memory_space<vmem>>) semaphore(%arg13 : memref<!tpu.dma_semaphore, #tpu.memory_space<semaphore_mem>>)
        %dma_wait3A = arith.constant 0 : i32
        %dma_wait3A_36 = tpu.memref_slice %arg9[%scan3A_30, %dma_wait3A] : memref<114x128xi32, #tpu.memory_space<vmem>> -> memref<1x128xi32, #tpu.memory_space<vmem>>
        %dma_wait3A_37 = tpu.memref_squeeze %dma_wait3A_36 : memref<1x128xi32, #tpu.memory_space<vmem>> -> memref<128xi32, #tpu.memory_space<vmem>>
        %dma_wait3A_38 = arith.constant 0 : i32
        %dma_wait3A_39 = arith.constant 0 : i32
        %dma_wait3A_40 = tpu.memref_slice %arg2[%dma_wait3A_38, %dma_wait3A_39] : memref<10112x128xf32, #tpu.memory_space<hbm>> -> memref<10112x128xf32, #tpu.memory_space<hbm>>
        tpu.wait_indirect_dma semaphore(%arg13 : memref<!tpu.dma_semaphore, #tpu.memory_space<semaphore_mem>>) src(%dma_wait3A_40 : memref<10112x128xf32, #tpu.memory_space<hbm>>) dst(%arg11 : memref<128x128xf32, #tpu.memory_space<vmem>>)
        "tpu.region"() ({
          %run_scoped3A = tpu.sem_alloc : memref<!tpu.dma_semaphore, #tpu.memory_space<semaphore_mem>>
          %dma_start3A_41 = arith.constant 0 : i32
          %dma_start3A_42 = tpu.memref_slice %arg10[%scan3A_30, %dma_start3A_41] : memref<114x128xi32, #tpu.memory_space<vmem>> -> memref<1x128xi32, #tpu.memory_space<vmem>>
          %dma_start3A_43 = tpu.memref_squeeze %dma_start3A_42 : memref<1x128xi32, #tpu.memory_space<vmem>> -> memref<128xi32, #tpu.memory_space<vmem>>
          %dma_start3A_44 = arith.constant 0 : i32
          %dma_start3A_45 = arith.constant 0 : i32
          %dma_start3A_46 = tpu.memref_slice %arg12[%dma_start3A_44, %dma_start3A_45] : memref<10112x128xf32, #tpu.memory_space<vmem_shared>> -> memref<10112x128xf32, #tpu.memory_space<vmem_shared>>
          tpu.enqueue_indirect_dma source(%arg11 : memref<128x128xf32, #tpu.memory_space<vmem>>) target(%dma_start3A_46 : memref<10112x128xf32, #tpu.memory_space<vmem_shared>>) offsets(%dma_start3A_43 : memref<128xi32, #tpu.memory_space<vmem>>) semaphore(%run_scoped3A : memref<!tpu.dma_semaphore, #tpu.memory_space<semaphore_mem>>) {add = true}
          %dma_wait3A_47 = arith.constant 0 : i32
          %dma_wait3A_48 = tpu.memref_slice %arg10[%scan3A_30, %dma_wait3A_47] : memref<114x128xi32, #tpu.memory_space<vmem>> -> memref<1x128xi32, #tpu.memory_space<vmem>>
          %dma_wait3A_49 = tpu.memref_squeeze %dma_wait3A_48 : memref<1x128xi32, #tpu.memory_space<vmem>> -> memref<128xi32, #tpu.memory_space<vmem>>
          %dma_wait3A_50 = arith.constant 0 : i32
          %dma_wait3A_51 = arith.constant 0 : i32
          %dma_wait3A_52 = tpu.memref_slice %arg12[%dma_wait3A_50, %dma_wait3A_51] : memref<10112x128xf32, #tpu.memory_space<vmem_shared>> -> memref<10112x128xf32, #tpu.memory_space<vmem_shared>>
          tpu.wait_indirect_dma semaphore(%run_scoped3A : memref<!tpu.dma_semaphore, #tpu.memory_space<semaphore_mem>>) src(%arg11 : memref<128x128xf32, #tpu.memory_space<vmem>>) dst(%dma_wait3A_52 : memref<10112x128xf32, #tpu.memory_space<vmem_shared>>)
          tpu.yield
        }) : () -> ()
      }
      %scan3A_29 = arith.constant 46 : i32
    } else {
    }
    %barrier3A_20 = arith.constant 0 : index
    tpu.barrier barrier_id(%barrier3A_20)
    %mul3A_21 = arith.constant 632 : i32
    %mul3A_22 = arith.muli %arg1, %mul3A_21 : i32
    %mul3A_23 = arith.constant 632 : i32
    %mul3A_24 = arith.muli %arg1, %mul3A_23 : i32
    "tpu.region"() ({
      %run_scoped3A = tpu.sem_alloc : memref<!tpu.dma_semaphore, #tpu.memory_space<semaphore_mem>>
      %dma_start3A = arith.constant 0 : i32
      %dma_start3A_25 = tpu.memref_slice %arg8[%arg0, %mul3A_24, %dma_start3A] : memref<2x10112x128xf32, #tpu.memory_space<hbm>> -> memref<1x632x128xf32, #tpu.memory_space<hbm>>
      %dma_start3A_26 = tpu.memref_squeeze %dma_start3A_25 : memref<1x632x128xf32, #tpu.memory_space<hbm>> -> memref<632x128xf32, #tpu.memory_space<hbm>>
      %dma_start3A_27 = arith.constant 0 : i32
      %dma_start3A_28 = tpu.memref_slice %arg12[%mul3A_22, %dma_start3A_27] : memref<10112x128xf32, #tpu.memory_space<vmem_shared>> -> memref<632x128xf32, #tpu.memory_space<vmem_shared>>
      tpu.enqueue_dma source(%dma_start3A_28 : memref<632x128xf32, #tpu.memory_space<vmem_shared>>) target(%dma_start3A_26 : memref<632x128xf32, #tpu.memory_space<hbm>>) target_semaphore(%run_scoped3A : memref<!tpu.dma_semaphore, #tpu.memory_space<semaphore_mem>>)
      %dma_wait3A = arith.constant 0 : i32
      %dma_wait3A_29 = tpu.memref_slice %arg8[%arg0, %mul3A_24, %dma_wait3A] : memref<2x10112x128xf32, #tpu.memory_space<hbm>> -> memref<1x632x128xf32, #tpu.memory_space<hbm>>
      %dma_wait3A_30 = tpu.memref_squeeze %dma_wait3A_29 : memref<1x632x128xf32, #tpu.memory_space<hbm>> -> memref<632x128xf32, #tpu.memory_space<hbm>>
      %dma_wait3A_31 = arith.constant 0 : i32
      %dma_wait3A_32 = tpu.memref_slice %arg12[%mul3A_22, %dma_wait3A_31] : memref<10112x128xf32, #tpu.memory_space<vmem_shared>> -> memref<632x128xf32, #tpu.memory_space<vmem_shared>>
      tpu.wait_dma2 semaphore(%run_scoped3A : memref<!tpu.dma_semaphore, #tpu.memory_space<semaphore_mem>>) src(%dma_wait3A_32 : memref<632x128xf32, #tpu.memory_space<vmem_shared>>) dst(%dma_wait3A_30 : memref<632x128xf32, #tpu.memory_space<hbm>>)
      tpu.yield
    }) : () -> ()
    return
  }
}

#map = affine_map<(d0, d1) -> (0, 0, 0)>
#map1 = affine_map<(d0, d1) -> (0, 0)>
module attributes {stable_mosaic.version = 14 : i64} {
  func.func @_sc_degree(%arg0: i32, %arg1: i32, %arg2: memref<32x80x128xi32, #tpu.memory_space<hbm>>, %arg3: memref<10112x16xf32, #tpu.memory_space<hbm>>, %arg4: memref<2x10112x16xf32, #tpu.memory_space<hbm>>, %arg5: memref<80x128xi32, #tpu.memory_space<vmem>>, %arg6: memref<128x16xf32, #tpu.memory_space<vmem>>, %arg7: memref<10112x16xf32, #tpu.memory_space<vmem_shared>>) attributes {dimension_semantics = [#tpu.dimension_semantics<core_parallel>, #tpu.dimension_semantics<subcore_parallel>], iteration_bounds = array<i64: 2, 16>, scalar_prefetch = 0 : i64, scratch_operands = 3 : i64, tpu.core_type = #tpu.core_type<sc_vector_subcore>, window_params = [{transform_indices = #map}, {transform_indices = #map1}, {transform_indices = #map}]} {
    %mul3A = arith.constant 16 : i32
    %mul3A_0 = arith.muli %arg0, %mul3A : i32
    %add3A = arith.addi %mul3A_0, %arg1 : i32
    "tpu.region"() ({
      %run_scoped3A = tpu.sem_alloc : memref<!tpu.dma_semaphore, #tpu.memory_space<semaphore_mem>>
      %dma_start3A = arith.constant 0 : i32
      %dma_start3A_21 = arith.constant 0 : i32
      %dma_start3A_22 = tpu.memref_slice %arg2[%add3A, %dma_start3A, %dma_start3A_21] : memref<32x80x128xi32, #tpu.memory_space<hbm>> -> memref<1x80x128xi32, #tpu.memory_space<hbm>>
      %dma_start3A_23 = tpu.memref_squeeze %dma_start3A_22 : memref<1x80x128xi32, #tpu.memory_space<hbm>> -> memref<80x128xi32, #tpu.memory_space<hbm>>
      %dma_start3A_24 = arith.constant 0 : i32
      %dma_start3A_25 = arith.constant 0 : i32
      %dma_start3A_26 = tpu.memref_slice %arg2[%add3A, %dma_start3A_24, %dma_start3A_25] : memref<32x80x128xi32, #tpu.memory_space<hbm>> -> memref<1x80x128xi32, #tpu.memory_space<hbm>>
      %dma_start3A_27 = tpu.memref_squeeze %dma_start3A_26 : memref<1x80x128xi32, #tpu.memory_space<hbm>> -> memref<80x128xi32, #tpu.memory_space<hbm>>
      tpu.enqueue_dma source(%dma_start3A_27 : memref<80x128xi32, #tpu.memory_space<hbm>>) target(%arg5 : memref<80x128xi32, #tpu.memory_space<vmem>>) target_semaphore(%run_scoped3A : memref<!tpu.dma_semaphore, #tpu.memory_space<semaphore_mem>>)
      %dma_wait3A = arith.constant 0 : i32
      %dma_wait3A_28 = arith.constant 0 : i32
      %dma_wait3A_29 = tpu.memref_slice %arg2[%add3A, %dma_wait3A, %dma_wait3A_28] : memref<32x80x128xi32, #tpu.memory_space<hbm>> -> memref<1x80x128xi32, #tpu.memory_space<hbm>>
      %dma_wait3A_30 = tpu.memref_squeeze %dma_wait3A_29 : memref<1x80x128xi32, #tpu.memory_space<hbm>> -> memref<80x128xi32, #tpu.memory_space<hbm>>
      %dma_wait3A_31 = arith.constant 0 : i32
      %dma_wait3A_32 = arith.constant 0 : i32
      %dma_wait3A_33 = tpu.memref_slice %arg2[%add3A, %dma_wait3A_31, %dma_wait3A_32] : memref<32x80x128xi32, #tpu.memory_space<hbm>> -> memref<1x80x128xi32, #tpu.memory_space<hbm>>
      %dma_wait3A_34 = tpu.memref_squeeze %dma_wait3A_33 : memref<1x80x128xi32, #tpu.memory_space<hbm>> -> memref<80x128xi32, #tpu.memory_space<hbm>>
      tpu.wait_dma2 semaphore(%run_scoped3A : memref<!tpu.dma_semaphore, #tpu.memory_space<semaphore_mem>>) src(%dma_wait3A_34 : memref<80x128xi32, #tpu.memory_space<hbm>>) dst(%arg5 : memref<80x128xi32, #tpu.memory_space<vmem>>)
      tpu.yield
    }) : () -> ()
    %scan3A = arith.constant 0 : i32
    %scan3A_1 = arith.constant 0 : i32
    %scan3A_2 = arith.constant 128 : i32
    %scan3A_3 = arith.addi %scan3A_1, %scan3A_2 : i32
    %scan3A_4 = arith.constant 1 : i32
    scf.for %scan3A_21 = %scan3A_1 to %scan3A_3 step %scan3A_4  : i32 {
      %broadcast_in_dim3A = arith.constant 1.000000e+00 : f32
      %broadcast_in_dim3A_22 = vector.broadcast %broadcast_in_dim3A : f32 to vector<16xf32>
      %swap3A = arith.index_cast %scan3A_21 : i32 to index
      %swap3A_23 = arith.constant 0 : index
      %swap3A_24 = tpu.vector_load %arg6[%swap3A, %swap3A_23] {strides = array<i32>} : memref<128x16xf32, #tpu.memory_space<vmem>>, vector<1x16xf32>,
      %swap3A_25 = vector.shape_cast %swap3A_24 : vector<1x16xf32> to vector<16xf32>
      %swap3A_26 = vector.shape_cast %broadcast_in_dim3A_22 : vector<16xf32> to vector<1x16xf32>
      tpu.vector_store %arg6[%swap3A, %swap3A_23], %swap3A_26 {strides = array<i32>} : memref<128x16xf32, #tpu.memory_space<vmem>>, vector<1x16xf32>,
    }
    %scan3A_5 = arith.constant 128 : i32
    %mul3A_6 = arith.constant 632 : i32
    %mul3A_7 = arith.muli %arg1, %mul3A_6 : i32
    %mul3A_8 = arith.constant 632 : i32
    %mul3A_9 = arith.muli %arg1, %mul3A_8 : i32
    "tpu.region"() ({
      %run_scoped3A = tpu.sem_alloc : memref<!tpu.dma_semaphore, #tpu.memory_space<semaphore_mem>>
      %dma_start3A = arith.constant 0 : i32
      %dma_start3A_21 = tpu.memref_slice %arg7[%mul3A_9, %dma_start3A] : memref<10112x16xf32, #tpu.memory_space<vmem_shared>> -> memref<632x16xf32, #tpu.memory_space<vmem_shared>>
      %dma_start3A_22 = arith.constant 0 : i32
      %dma_start3A_23 = tpu.memref_slice %arg3[%mul3A_7, %dma_start3A_22] : memref<10112x16xf32, #tpu.memory_space<hbm>> -> memref<632x16xf32, #tpu.memory_space<hbm>>
      tpu.enqueue_dma source(%dma_start3A_23 : memref<632x16xf32, #tpu.memory_space<hbm>>) target(%dma_start3A_21 : memref<632x16xf32, #tpu.memory_space<vmem_shared>>) target_semaphore(%run_scoped3A : memref<!tpu.dma_semaphore, #tpu.memory_space<semaphore_mem>>)
      %dma_wait3A = arith.constant 0 : i32
      %dma_wait3A_24 = tpu.memref_slice %arg7[%mul3A_9, %dma_wait3A] : memref<10112x16xf32, #tpu.memory_space<vmem_shared>> -> memref<632x16xf32, #tpu.memory_space<vmem_shared>>
      %dma_wait3A_25 = arith.constant 0 : i32
      %dma_wait3A_26 = tpu.memref_slice %arg3[%mul3A_7, %dma_wait3A_25] : memref<10112x16xf32, #tpu.memory_space<hbm>> -> memref<632x16xf32, #tpu.memory_space<hbm>>
      tpu.wait_dma2 semaphore(%run_scoped3A : memref<!tpu.dma_semaphore, #tpu.memory_space<semaphore_mem>>) src(%dma_wait3A_26 : memref<632x16xf32, #tpu.memory_space<hbm>>) dst(%dma_wait3A_24 : memref<632x16xf32, #tpu.memory_space<vmem_shared>>)
      tpu.yield
    }) : () -> ()
    %barrier3A = arith.constant 0 : index
    tpu.barrier barrier_id(%barrier3A)
    %scan3A_10 = arith.constant 0 : i32
    %scan3A_11 = arith.constant 0 : i32
    %scan3A_12 = arith.constant 80 : i32
    %scan3A_13 = arith.addi %scan3A_11, %scan3A_12 : i32
    %scan3A_14 = arith.constant 1 : i32
    scf.for %scan3A_21 = %scan3A_11 to %scan3A_13 step %scan3A_14  : i32 {
      "tpu.region"() ({
        %run_scoped3A = tpu.sem_alloc : memref<!tpu.dma_semaphore, #tpu.memory_space<semaphore_mem>>
        %dma_start3A = arith.constant 0 : i32
        %dma_start3A_22 = tpu.memref_slice %arg5[%scan3A_21, %dma_start3A] : memref<80x128xi32, #tpu.memory_space<vmem>> -> memref<1x128xi32, #tpu.memory_space<vmem>>
        %dma_start3A_23 = tpu.memref_squeeze %dma_start3A_22 : memref<1x128xi32, #tpu.memory_space<vmem>> -> memref<128xi32, #tpu.memory_space<vmem>>
        %dma_start3A_24 = arith.constant 0 : i32
        %dma_start3A_25 = arith.constant 0 : i32
        %dma_start3A_26 = tpu.memref_slice %arg7[%dma_start3A_24, %dma_start3A_25] : memref<10112x16xf32, #tpu.memory_space<vmem_shared>> -> memref<10112x16xf32, #tpu.memory_space<vmem_shared>>
        tpu.enqueue_indirect_dma source(%arg6 : memref<128x16xf32, #tpu.memory_space<vmem>>) target(%dma_start3A_26 : memref<10112x16xf32, #tpu.memory_space<vmem_shared>>) offsets(%dma_start3A_23 : memref<128xi32, #tpu.memory_space<vmem>>) semaphore(%run_scoped3A : memref<!tpu.dma_semaphore, #tpu.memory_space<semaphore_mem>>) {add = true}
        %dma_wait3A = arith.constant 0 : i32
        %dma_wait3A_27 = tpu.memref_slice %arg5[%scan3A_21, %dma_wait3A] : memref<80x128xi32, #tpu.memory_space<vmem>> -> memref<1x128xi32, #tpu.memory_space<vmem>>
        %dma_wait3A_28 = tpu.memref_squeeze %dma_wait3A_27 : memref<1x128xi32, #tpu.memory_space<vmem>> -> memref<128xi32, #tpu.memory_space<vmem>>
        %dma_wait3A_29 = arith.constant 0 : i32
        %dma_wait3A_30 = arith.constant 0 : i32
        %dma_wait3A_31 = tpu.memref_slice %arg7[%dma_wait3A_29, %dma_wait3A_30] : memref<10112x16xf32, #tpu.memory_space<vmem_shared>> -> memref<10112x16xf32, #tpu.memory_space<vmem_shared>>
        tpu.wait_indirect_dma semaphore(%run_scoped3A : memref<!tpu.dma_semaphore, #tpu.memory_space<semaphore_mem>>) src(%arg6 : memref<128x16xf32, #tpu.memory_space<vmem>>) dst(%dma_wait3A_31 : memref<10112x16xf32, #tpu.memory_space<vmem_shared>>)
        tpu.yield
      }) : () -> ()
    }
    %scan3A_15 = arith.constant 80 : i32
    %barrier3A_16 = arith.constant 0 : index
    tpu.barrier barrier_id(%barrier3A_16)
    %mul3A_17 = arith.constant 632 : i32
    %mul3A_18 = arith.muli %arg1, %mul3A_17 : i32
    %mul3A_19 = arith.constant 632 : i32
    %mul3A_20 = arith.muli %arg1, %mul3A_19 : i32
    "tpu.region"() ({
      %run_scoped3A = tpu.sem_alloc : memref<!tpu.dma_semaphore, #tpu.memory_space<semaphore_mem>>
      %dma_start3A = arith.constant 0 : i32
      %dma_start3A_21 = tpu.memref_slice %arg4[%arg0, %mul3A_20, %dma_start3A] : memref<2x10112x16xf32, #tpu.memory_space<hbm>> -> memref<1x632x16xf32, #tpu.memory_space<hbm>>
      %dma_start3A_22 = tpu.memref_squeeze %dma_start3A_21 : memref<1x632x16xf32, #tpu.memory_space<hbm>> -> memref<632x16xf32, #tpu.memory_space<hbm>>
      %dma_start3A_23 = arith.constant 0 : i32
      %dma_start3A_24 = tpu.memref_slice %arg7[%mul3A_18, %dma_start3A_23] : memref<10112x16xf32, #tpu.memory_space<vmem_shared>> -> memref<632x16xf32, #tpu.memory_space<vmem_shared>>
      tpu.enqueue_dma source(%dma_start3A_24 : memref<632x16xf32, #tpu.memory_space<vmem_shared>>) target(%dma_start3A_22 : memref<632x16xf32, #tpu.memory_space<hbm>>) target_semaphore(%run_scoped3A : memref<!tpu.dma_semaphore, #tpu.memory_space<semaphore_mem>>)
      %dma_wait3A = arith.constant 0 : i32
      %dma_wait3A_25 = tpu.memref_slice %arg4[%arg0, %mul3A_20, %dma_wait3A] : memref<2x10112x16xf32, #tpu.memory_space<hbm>> -> memref<1x632x16xf32, #tpu.memory_space<hbm>>
      %dma_wait3A_26 = tpu.memref_squeeze %dma_wait3A_25 : memref<1x632x16xf32, #tpu.memory_space<hbm>> -> memref<632x16xf32, #tpu.memory_space<hbm>>
      %dma_wait3A_27 = arith.constant 0 : i32
      %dma_wait3A_28 = tpu.memref_slice %arg7[%mul3A_18, %dma_wait3A_27] : memref<10112x16xf32, #tpu.memory_space<vmem_shared>> -> memref<632x16xf32, #tpu.memory_space<vmem_shared>>
      tpu.wait_dma2 semaphore(%run_scoped3A : memref<!tpu.dma_semaphore, #tpu.memory_space<semaphore_mem>>) src(%dma_wait3A_28 : memref<632x16xf32, #tpu.memory_space<vmem_shared>>) dst(%dma_wait3A_26 : memref<632x16xf32, #tpu.memory_space<hbm>>)
      tpu.yield
    }) : () -> ()
    return
  }
}

#map = affine_map<(d0, d1) -> (0, 0)>
#map1 = affine_map<(d0, d1) -> (0, 0, 0)>
module attributes {stable_mosaic.version = 14 : i64} {
  func.func @_sc_scatter(%arg0: i32, %arg1: i32, %arg2: memref<10112x128xf32, #tpu.memory_space<hbm>>, %arg3: memref<16x114x128xi32, #tpu.memory_space<hbm>>, %arg4: memref<16x114x128xi32, #tpu.memory_space<hbm>>, %arg5: memref<16x46x128xi32, #tpu.memory_space<hbm>>, %arg6: memref<16x46x128xi32, #tpu.memory_space<hbm>>, %arg7: memref<10112x128xf32, #tpu.memory_space<hbm>>, %arg8: memref<2x10112x128xf32, #tpu.memory_space<hbm>>, %arg9: memref<114x128xi32, #tpu.memory_space<vmem>>, %arg10: memref<114x128xi32, #tpu.memory_space<vmem>>, %arg11: memref<128x128xf32, #tpu.memory_space<vmem>>, %arg12: memref<10112x128xf32, #tpu.memory_space<vmem_shared>>, %arg13: memref<!tpu.dma_semaphore, #tpu.memory_space<semaphore_mem>>) attributes {dimension_semantics = [#tpu.dimension_semantics<core_parallel>, #tpu.dimension_semantics<subcore_parallel>], iteration_bounds = array<i64: 2, 16>, scalar_prefetch = 0 : i64, scratch_operands = 5 : i64, tpu.core_type = #tpu.core_type<sc_vector_subcore>, window_params = [{transform_indices = #map}, {transform_indices = #map1}, {transform_indices = #map1}, {transform_indices = #map1}, {transform_indices = #map1}, {transform_indices = #map}, {transform_indices = #map1}]} {
    %eq3A = arith.constant 0 : i32
    %eq3A_0 = arith.cmpi eq, %arg0, %eq3A : i32
    %convert_element_type3A = arith.extui %eq3A_0 : i1 to i32
    %cond3A = arith.constant 0 : i32
    %cond3A_1 = arith.cmpi ne, %convert_element_type3A, %cond3A : i32
    scf.if %cond3A_1 {
      "tpu.region"() ({
        %run_scoped3A = tpu.sem_alloc : memref<!tpu.dma_semaphore, #tpu.memory_space<semaphore_mem>>
        %dma_start3A = arith.constant 0 : i32
        %dma_start3A_25 = arith.constant 0 : i32
        %dma_start3A_26 = tpu.memref_slice %arg9[%dma_start3A, %dma_start3A_25] : memref<114x128xi32, #tpu.memory_space<vmem>> -> memref<114x128xi32, #tpu.memory_space<vmem>>
        %dma_start3A_27 = arith.constant 0 : i32
        %dma_start3A_28 = arith.constant 0 : i32
        %dma_start3A_29 = tpu.memref_slice %arg3[%arg1, %dma_start3A_27, %dma_start3A_28] : memref<16x114x128xi32, #tpu.memory_space<hbm>> -> memref<1x114x128xi32, #tpu.memory_space<hbm>>
        %dma_start3A_30 = tpu.memref_squeeze %dma_start3A_29 : memref<1x114x128xi32, #tpu.memory_space<hbm>> -> memref<114x128xi32, #tpu.memory_space<hbm>>
        %dma_start3A_31 = arith.constant 0 : i32
        %dma_start3A_32 = arith.constant 0 : i32
        %dma_start3A_33 = tpu.memref_slice %arg9[%dma_start3A_31, %dma_start3A_32] : memref<114x128xi32, #tpu.memory_space<vmem>> -> memref<114x128xi32, #tpu.memory_space<vmem>>
        %dma_start3A_34 = arith.constant 0 : i32
        %dma_start3A_35 = arith.constant 0 : i32
        %dma_start3A_36 = tpu.memref_slice %arg3[%arg1, %dma_start3A_34, %dma_start3A_35] : memref<16x114x128xi32, #tpu.memory_space<hbm>> -> memref<1x114x128xi32, #tpu.memory_space<hbm>>
        %dma_start3A_37 = tpu.memref_squeeze %dma_start3A_36 : memref<1x114x128xi32, #tpu.memory_space<hbm>> -> memref<114x128xi32, #tpu.memory_space<hbm>>
        tpu.enqueue_dma source(%dma_start3A_37 : memref<114x128xi32, #tpu.memory_space<hbm>>) target(%dma_start3A_33 : memref<114x128xi32, #tpu.memory_space<vmem>>) target_semaphore(%run_scoped3A : memref<!tpu.dma_semaphore, #tpu.memory_space<semaphore_mem>>)
        %dma_wait3A = arith.constant 0 : i32
        %dma_wait3A_38 = arith.constant 0 : i32
        %dma_wait3A_39 = tpu.memref_slice %arg9[%dma_wait3A, %dma_wait3A_38] : memref<114x128xi32, #tpu.memory_space<vmem>> -> memref<114x128xi32, #tpu.memory_space<vmem>>
        %dma_wait3A_40 = arith.constant 0 : i32
        %dma_wait3A_41 = arith.constant 0 : i32
        %dma_wait3A_42 = tpu.memref_slice %arg3[%arg1, %dma_wait3A_40, %dma_wait3A_41] : memref<16x114x128xi32, #tpu.memory_space<hbm>> -> memref<1x114x128xi32, #tpu.memory_space<hbm>>
        %dma_wait3A_43 = tpu.memref_squeeze %dma_wait3A_42 : memref<1x114x128xi32, #tpu.memory_space<hbm>> -> memref<114x128xi32, #tpu.memory_space<hbm>>
        %dma_wait3A_44 = arith.constant 0 : i32
        %dma_wait3A_45 = arith.constant 0 : i32
        %dma_wait3A_46 = tpu.memref_slice %arg9[%dma_wait3A_44, %dma_wait3A_45] : memref<114x128xi32, #tpu.memory_space<vmem>> -> memref<114x128xi32, #tpu.memory_space<vmem>>
        %dma_wait3A_47 = arith.constant 0 : i32
        %dma_wait3A_48 = arith.constant 0 : i32
        %dma_wait3A_49 = tpu.memref_slice %arg3[%arg1, %dma_wait3A_47, %dma_wait3A_48] : memref<16x114x128xi32, #tpu.memory_space<hbm>> -> memref<1x114x128xi32, #tpu.memory_space<hbm>>
        %dma_wait3A_50 = tpu.memref_squeeze %dma_wait3A_49 : memref<1x114x128xi32, #tpu.memory_space<hbm>> -> memref<114x128xi32, #tpu.memory_space<hbm>>
        tpu.wait_dma2 semaphore(%run_scoped3A : memref<!tpu.dma_semaphore, #tpu.memory_space<semaphore_mem>>) src(%dma_wait3A_50 : memref<114x128xi32, #tpu.memory_space<hbm>>) dst(%dma_wait3A_46 : memref<114x128xi32, #tpu.memory_space<vmem>>)
        tpu.yield
      }) : () -> ()
      "tpu.region"() ({
        %run_scoped3A = tpu.sem_alloc : memref<!tpu.dma_semaphore, #tpu.memory_space<semaphore_mem>>
        %dma_start3A = arith.constant 0 : i32
        %dma_start3A_25 = arith.constant 0 : i32
        %dma_start3A_26 = tpu.memref_slice %arg10[%dma_start3A, %dma_start3A_25] : memref<114x128xi32, #tpu.memory_space<vmem>> -> memref<114x128xi32, #tpu.memory_space<vmem>>
        %dma_start3A_27 = arith.constant 0 : i32
        %dma_start3A_28 = arith.constant 0 : i32
        %dma_start3A_29 = tpu.memref_slice %arg4[%arg1, %dma_start3A_27, %dma_start3A_28] : memref<16x114x128xi32, #tpu.memory_space<hbm>> -> memref<1x114x128xi32, #tpu.memory_space<hbm>>
        %dma_start3A_30 = tpu.memref_squeeze %dma_start3A_29 : memref<1x114x128xi32, #tpu.memory_space<hbm>> -> memref<114x128xi32, #tpu.memory_space<hbm>>
        %dma_start3A_31 = arith.constant 0 : i32
        %dma_start3A_32 = arith.constant 0 : i32
        %dma_start3A_33 = tpu.memref_slice %arg10[%dma_start3A_31, %dma_start3A_32] : memref<114x128xi32, #tpu.memory_space<vmem>> -> memref<114x128xi32, #tpu.memory_space<vmem>>
        %dma_start3A_34 = arith.constant 0 : i32
        %dma_start3A_35 = arith.constant 0 : i32
        %dma_start3A_36 = tpu.memref_slice %arg4[%arg1, %dma_start3A_34, %dma_start3A_35] : memref<16x114x128xi32, #tpu.memory_space<hbm>> -> memref<1x114x128xi32, #tpu.memory_space<hbm>>
        %dma_start3A_37 = tpu.memref_squeeze %dma_start3A_36 : memref<1x114x128xi32, #tpu.memory_space<hbm>> -> memref<114x128xi32, #tpu.memory_space<hbm>>
        tpu.enqueue_dma source(%dma_start3A_37 : memref<114x128xi32, #tpu.memory_space<hbm>>) target(%dma_start3A_33 : memref<114x128xi32, #tpu.memory_space<vmem>>) target_semaphore(%run_scoped3A : memref<!tpu.dma_semaphore, #tpu.memory_space<semaphore_mem>>)
        %dma_wait3A = arith.constant 0 : i32
        %dma_wait3A_38 = arith.constant 0 : i32
        %dma_wait3A_39 = tpu.memref_slice %arg10[%dma_wait3A, %dma_wait3A_38] : memref<114x128xi32, #tpu.memory_space<vmem>> -> memref<114x128xi32, #tpu.memory_space<vmem>>
        %dma_wait3A_40 = arith.constant 0 : i32
        %dma_wait3A_41 = arith.constant 0 : i32
        %dma_wait3A_42 = tpu.memref_slice %arg4[%arg1, %dma_wait3A_40, %dma_wait3A_41] : memref<16x114x128xi32, #tpu.memory_space<hbm>> -> memref<1x114x128xi32, #tpu.memory_space<hbm>>
        %dma_wait3A_43 = tpu.memref_squeeze %dma_wait3A_42 : memref<1x114x128xi32, #tpu.memory_space<hbm>> -> memref<114x128xi32, #tpu.memory_space<hbm>>
        %dma_wait3A_44 = arith.constant 0 : i32
        %dma_wait3A_45 = arith.constant 0 : i32
        %dma_wait3A_46 = tpu.memref_slice %arg10[%dma_wait3A_44, %dma_wait3A_45] : memref<114x128xi32, #tpu.memory_space<vmem>> -> memref<114x128xi32, #tpu.memory_space<vmem>>
        %dma_wait3A_47 = arith.constant 0 : i32
        %dma_wait3A_48 = arith.constant 0 : i32
        %dma_wait3A_49 = tpu.memref_slice %arg4[%arg1, %dma_wait3A_47, %dma_wait3A_48] : memref<16x114x128xi32, #tpu.memory_space<hbm>> -> memref<1x114x128xi32, #tpu.memory_space<hbm>>
        %dma_wait3A_50 = tpu.memref_squeeze %dma_wait3A_49 : memref<1x114x128xi32, #tpu.memory_space<hbm>> -> memref<114x128xi32, #tpu.memory_space<hbm>>
        tpu.wait_dma2 semaphore(%run_scoped3A : memref<!tpu.dma_semaphore, #tpu.memory_space<semaphore_mem>>) src(%dma_wait3A_50 : memref<114x128xi32, #tpu.memory_space<hbm>>) dst(%dma_wait3A_46 : memref<114x128xi32, #tpu.memory_space<vmem>>)
        tpu.yield
      }) : () -> ()
    } else {
    }
    %eq3A_2 = arith.constant 1 : i32
    %eq3A_3 = arith.cmpi eq, %arg0, %eq3A_2 : i32
    %convert_element_type3A_4 = arith.extui %eq3A_3 : i1 to i32
    %cond3A_5 = arith.constant 0 : i32
    %cond3A_6 = arith.cmpi ne, %convert_element_type3A_4, %cond3A_5 : i32
    scf.if %cond3A_6 {
      "tpu.region"() ({
        %run_scoped3A = tpu.sem_alloc : memref<!tpu.dma_semaphore, #tpu.memory_space<semaphore_mem>>
        %dma_start3A = arith.constant 0 : i32
        %dma_start3A_25 = arith.constant 0 : i32
        %dma_start3A_26 = tpu.memref_slice %arg9[%dma_start3A, %dma_start3A_25] : memref<114x128xi32, #tpu.memory_space<vmem>> -> memref<46x128xi32, #tpu.memory_space<vmem>>
        %dma_start3A_27 = arith.constant 0 : i32
        %dma_start3A_28 = arith.constant 0 : i32
        %dma_start3A_29 = tpu.memref_slice %arg5[%arg1, %dma_start3A_27, %dma_start3A_28] : memref<16x46x128xi32, #tpu.memory_space<hbm>> -> memref<1x46x128xi32, #tpu.memory_space<hbm>>
        %dma_start3A_30 = tpu.memref_squeeze %dma_start3A_29 : memref<1x46x128xi32, #tpu.memory_space<hbm>> -> memref<46x128xi32, #tpu.memory_space<hbm>>
        %dma_start3A_31 = arith.constant 0 : i32
        %dma_start3A_32 = arith.constant 0 : i32
        %dma_start3A_33 = tpu.memref_slice %arg9[%dma_start3A_31, %dma_start3A_32] : memref<114x128xi32, #tpu.memory_space<vmem>> -> memref<46x128xi32, #tpu.memory_space<vmem>>
        %dma_start3A_34 = arith.constant 0 : i32
        %dma_start3A_35 = arith.constant 0 : i32
        %dma_start3A_36 = tpu.memref_slice %arg5[%arg1, %dma_start3A_34, %dma_start3A_35] : memref<16x46x128xi32, #tpu.memory_space<hbm>> -> memref<1x46x128xi32, #tpu.memory_space<hbm>>
        %dma_start3A_37 = tpu.memref_squeeze %dma_start3A_36 : memref<1x46x128xi32, #tpu.memory_space<hbm>> -> memref<46x128xi32, #tpu.memory_space<hbm>>
        tpu.enqueue_dma source(%dma_start3A_37 : memref<46x128xi32, #tpu.memory_space<hbm>>) target(%dma_start3A_33 : memref<46x128xi32, #tpu.memory_space<vmem>>) target_semaphore(%run_scoped3A : memref<!tpu.dma_semaphore, #tpu.memory_space<semaphore_mem>>)
        %dma_wait3A = arith.constant 0 : i32
        %dma_wait3A_38 = arith.constant 0 : i32
        %dma_wait3A_39 = tpu.memref_slice %arg9[%dma_wait3A, %dma_wait3A_38] : memref<114x128xi32, #tpu.memory_space<vmem>> -> memref<46x128xi32, #tpu.memory_space<vmem>>
        %dma_wait3A_40 = arith.constant 0 : i32
        %dma_wait3A_41 = arith.constant 0 : i32
        %dma_wait3A_42 = tpu.memref_slice %arg5[%arg1, %dma_wait3A_40, %dma_wait3A_41] : memref<16x46x128xi32, #tpu.memory_space<hbm>> -> memref<1x46x128xi32, #tpu.memory_space<hbm>>
        %dma_wait3A_43 = tpu.memref_squeeze %dma_wait3A_42 : memref<1x46x128xi32, #tpu.memory_space<hbm>> -> memref<46x128xi32, #tpu.memory_space<hbm>>
        %dma_wait3A_44 = arith.constant 0 : i32
        %dma_wait3A_45 = arith.constant 0 : i32
        %dma_wait3A_46 = tpu.memref_slice %arg9[%dma_wait3A_44, %dma_wait3A_45] : memref<114x128xi32, #tpu.memory_space<vmem>> -> memref<46x128xi32, #tpu.memory_space<vmem>>
        %dma_wait3A_47 = arith.constant 0 : i32
        %dma_wait3A_48 = arith.constant 0 : i32
        %dma_wait3A_49 = tpu.memref_slice %arg5[%arg1, %dma_wait3A_47, %dma_wait3A_48] : memref<16x46x128xi32, #tpu.memory_space<hbm>> -> memref<1x46x128xi32, #tpu.memory_space<hbm>>
        %dma_wait3A_50 = tpu.memref_squeeze %dma_wait3A_49 : memref<1x46x128xi32, #tpu.memory_space<hbm>> -> memref<46x128xi32, #tpu.memory_space<hbm>>
        tpu.wait_dma2 semaphore(%run_scoped3A : memref<!tpu.dma_semaphore, #tpu.memory_space<semaphore_mem>>) src(%dma_wait3A_50 : memref<46x128xi32, #tpu.memory_space<hbm>>) dst(%dma_wait3A_46 : memref<46x128xi32, #tpu.memory_space<vmem>>)
        tpu.yield
      }) : () -> ()
      "tpu.region"() ({
        %run_scoped3A = tpu.sem_alloc : memref<!tpu.dma_semaphore, #tpu.memory_space<semaphore_mem>>
        %dma_start3A = arith.constant 0 : i32
        %dma_start3A_25 = arith.constant 0 : i32
        %dma_start3A_26 = tpu.memref_slice %arg10[%dma_start3A, %dma_start3A_25] : memref<114x128xi32, #tpu.memory_space<vmem>> -> memref<46x128xi32, #tpu.memory_space<vmem>>
        %dma_start3A_27 = arith.constant 0 : i32
        %dma_start3A_28 = arith.constant 0 : i32
        %dma_start3A_29 = tpu.memref_slice %arg6[%arg1, %dma_start3A_27, %dma_start3A_28] : memref<16x46x128xi32, #tpu.memory_space<hbm>> -> memref<1x46x128xi32, #tpu.memory_space<hbm>>
        %dma_start3A_30 = tpu.memref_squeeze %dma_start3A_29 : memref<1x46x128xi32, #tpu.memory_space<hbm>> -> memref<46x128xi32, #tpu.memory_space<hbm>>
        %dma_start3A_31 = arith.constant 0 : i32
        %dma_start3A_32 = arith.constant 0 : i32
        %dma_start3A_33 = tpu.memref_slice %arg10[%dma_start3A_31, %dma_start3A_32] : memref<114x128xi32, #tpu.memory_space<vmem>> -> memref<46x128xi32, #tpu.memory_space<vmem>>
        %dma_start3A_34 = arith.constant 0 : i32
        %dma_start3A_35 = arith.constant 0 : i32
        %dma_start3A_36 = tpu.memref_slice %arg6[%arg1, %dma_start3A_34, %dma_start3A_35] : memref<16x46x128xi32, #tpu.memory_space<hbm>> -> memref<1x46x128xi32, #tpu.memory_space<hbm>>
        %dma_start3A_37 = tpu.memref_squeeze %dma_start3A_36 : memref<1x46x128xi32, #tpu.memory_space<hbm>> -> memref<46x128xi32, #tpu.memory_space<hbm>>
        tpu.enqueue_dma source(%dma_start3A_37 : memref<46x128xi32, #tpu.memory_space<hbm>>) target(%dma_start3A_33 : memref<46x128xi32, #tpu.memory_space<vmem>>) target_semaphore(%run_scoped3A : memref<!tpu.dma_semaphore, #tpu.memory_space<semaphore_mem>>)
        %dma_wait3A = arith.constant 0 : i32
        %dma_wait3A_38 = arith.constant 0 : i32
        %dma_wait3A_39 = tpu.memref_slice %arg10[%dma_wait3A, %dma_wait3A_38] : memref<114x128xi32, #tpu.memory_space<vmem>> -> memref<46x128xi32, #tpu.memory_space<vmem>>
        %dma_wait3A_40 = arith.constant 0 : i32
        %dma_wait3A_41 = arith.constant 0 : i32
        %dma_wait3A_42 = tpu.memref_slice %arg6[%arg1, %dma_wait3A_40, %dma_wait3A_41] : memref<16x46x128xi32, #tpu.memory_space<hbm>> -> memref<1x46x128xi32, #tpu.memory_space<hbm>>
        %dma_wait3A_43 = tpu.memref_squeeze %dma_wait3A_42 : memref<1x46x128xi32, #tpu.memory_space<hbm>> -> memref<46x128xi32, #tpu.memory_space<hbm>>
        %dma_wait3A_44 = arith.constant 0 : i32
        %dma_wait3A_45 = arith.constant 0 : i32
        %dma_wait3A_46 = tpu.memref_slice %arg10[%dma_wait3A_44, %dma_wait3A_45] : memref<114x128xi32, #tpu.memory_space<vmem>> -> memref<46x128xi32, #tpu.memory_space<vmem>>
        %dma_wait3A_47 = arith.constant 0 : i32
        %dma_wait3A_48 = arith.constant 0 : i32
        %dma_wait3A_49 = tpu.memref_slice %arg6[%arg1, %dma_wait3A_47, %dma_wait3A_48] : memref<16x46x128xi32, #tpu.memory_space<hbm>> -> memref<1x46x128xi32, #tpu.memory_space<hbm>>
        %dma_wait3A_50 = tpu.memref_squeeze %dma_wait3A_49 : memref<1x46x128xi32, #tpu.memory_space<hbm>> -> memref<46x128xi32, #tpu.memory_space<hbm>>
        tpu.wait_dma2 semaphore(%run_scoped3A : memref<!tpu.dma_semaphore, #tpu.memory_space<semaphore_mem>>) src(%dma_wait3A_50 : memref<46x128xi32, #tpu.memory_space<hbm>>) dst(%dma_wait3A_46 : memref<46x128xi32, #tpu.memory_space<vmem>>)
        tpu.yield
      }) : () -> ()
    } else {
    }
    %mul3A = arith.constant 632 : i32
    %mul3A_7 = arith.muli %arg1, %mul3A : i32
    %mul3A_8 = arith.constant 632 : i32
    %mul3A_9 = arith.muli %arg1, %mul3A_8 : i32
    "tpu.region"() ({
      %run_scoped3A = tpu.sem_alloc : memref<!tpu.dma_semaphore, #tpu.memory_space<semaphore_mem>>
      %dma_start3A = arith.constant 0 : i32
      %dma_start3A_25 = tpu.memref_slice %arg12[%mul3A_9, %dma_start3A] : memref<10112x128xf32, #tpu.memory_space<vmem_shared>> -> memref<632x128xf32, #tpu.memory_space<vmem_shared>>
      %dma_start3A_26 = arith.constant 0 : i32
      %dma_start3A_27 = tpu.memref_slice %arg7[%mul3A_7, %dma_start3A_26] : memref<10112x128xf32, #tpu.memory_space<hbm>> -> memref<632x128xf32, #tpu.memory_space<hbm>>
      tpu.enqueue_dma source(%dma_start3A_27 : memref<632x128xf32, #tpu.memory_space<hbm>>) target(%dma_start3A_25 : memref<632x128xf32, #tpu.memory_space<vmem_shared>>) target_semaphore(%run_scoped3A : memref<!tpu.dma_semaphore, #tpu.memory_space<semaphore_mem>>)
      %dma_wait3A = arith.constant 0 : i32
      %dma_wait3A_28 = tpu.memref_slice %arg12[%mul3A_9, %dma_wait3A] : memref<10112x128xf32, #tpu.memory_space<vmem_shared>> -> memref<632x128xf32, #tpu.memory_space<vmem_shared>>
      %dma_wait3A_29 = arith.constant 0 : i32
      %dma_wait3A_30 = tpu.memref_slice %arg7[%mul3A_7, %dma_wait3A_29] : memref<10112x128xf32, #tpu.memory_space<hbm>> -> memref<632x128xf32, #tpu.memory_space<hbm>>
      tpu.wait_dma2 semaphore(%run_scoped3A : memref<!tpu.dma_semaphore, #tpu.memory_space<semaphore_mem>>) src(%dma_wait3A_30 : memref<632x128xf32, #tpu.memory_space<hbm>>) dst(%dma_wait3A_28 : memref<632x128xf32, #tpu.memory_space<vmem_shared>>)
      tpu.yield
    }) : () -> ()
    %barrier3A = arith.constant 0 : index
    tpu.barrier barrier_id(%barrier3A)
    %eq3A_10 = arith.constant 0 : i32
    %eq3A_11 = arith.cmpi eq, %arg0, %eq3A_10 : i32
    %convert_element_type3A_12 = arith.extui %eq3A_11 : i1 to i32
    %cond3A_13 = arith.constant 0 : i32
    %cond3A_14 = arith.cmpi ne, %convert_element_type3A_12, %cond3A_13 : i32
    scf.if %cond3A_14 {
      %scan3A = arith.constant 0 : i32
      %scan3A_25 = arith.constant 0 : i32
      %scan3A_26 = arith.constant 114 : i32
      %scan3A_27 = arith.addi %scan3A_25, %scan3A_26 : i32
      %scan3A_28 = arith.constant 1 : i32
      scf.for %scan3A_30 = %scan3A_25 to %scan3A_27 step %scan3A_28  : i32 {
        %dma_start3A = arith.constant 0 : i32
        %dma_start3A_31 = tpu.memref_slice %arg9[%scan3A_30, %dma_start3A] : memref<114x128xi32, #tpu.memory_space<vmem>> -> memref<1x128xi32, #tpu.memory_space<vmem>>
        %dma_start3A_32 = tpu.memref_squeeze %dma_start3A_31 : memref<1x128xi32, #tpu.memory_space<vmem>> -> memref<128xi32, #tpu.memory_space<vmem>>
        %dma_start3A_33 = arith.constant 0 : i32
        %dma_start3A_34 = arith.constant 0 : i32
        %dma_start3A_35 = tpu.memref_slice %arg2[%dma_start3A_33, %dma_start3A_34] : memref<10112x128xf32, #tpu.memory_space<hbm>> -> memref<10112x128xf32, #tpu.memory_space<hbm>>
        tpu.enqueue_indirect_dma source(%dma_start3A_35 : memref<10112x128xf32, #tpu.memory_space<hbm>>) target(%arg11 : memref<128x128xf32, #tpu.memory_space<vmem>>) offsets(%dma_start3A_32 : memref<128xi32, #tpu.memory_space<vmem>>) semaphore(%arg13 : memref<!tpu.dma_semaphore, #tpu.memory_space<semaphore_mem>>)
        %dma_wait3A = arith.constant 0 : i32
        %dma_wait3A_36 = tpu.memref_slice %arg9[%scan3A_30, %dma_wait3A] : memref<114x128xi32, #tpu.memory_space<vmem>> -> memref<1x128xi32, #tpu.memory_space<vmem>>
        %dma_wait3A_37 = tpu.memref_squeeze %dma_wait3A_36 : memref<1x128xi32, #tpu.memory_space<vmem>> -> memref<128xi32, #tpu.memory_space<vmem>>
        %dma_wait3A_38 = arith.constant 0 : i32
        %dma_wait3A_39 = arith.constant 0 : i32
        %dma_wait3A_40 = tpu.memref_slice %arg2[%dma_wait3A_38, %dma_wait3A_39] : memref<10112x128xf32, #tpu.memory_space<hbm>> -> memref<10112x128xf32, #tpu.memory_space<hbm>>
        tpu.wait_indirect_dma semaphore(%arg13 : memref<!tpu.dma_semaphore, #tpu.memory_space<semaphore_mem>>) src(%dma_wait3A_40 : memref<10112x128xf32, #tpu.memory_space<hbm>>) dst(%arg11 : memref<128x128xf32, #tpu.memory_space<vmem>>)
        "tpu.region"() ({
          %run_scoped3A = tpu.sem_alloc : memref<!tpu.dma_semaphore, #tpu.memory_space<semaphore_mem>>
          %dma_start3A_41 = arith.constant 0 : i32
          %dma_start3A_42 = tpu.memref_slice %arg10[%scan3A_30, %dma_start3A_41] : memref<114x128xi32, #tpu.memory_space<vmem>> -> memref<1x128xi32, #tpu.memory_space<vmem>>
          %dma_start3A_43 = tpu.memref_squeeze %dma_start3A_42 : memref<1x128xi32, #tpu.memory_space<vmem>> -> memref<128xi32, #tpu.memory_space<vmem>>
          %dma_start3A_44 = arith.constant 0 : i32
          %dma_start3A_45 = arith.constant 0 : i32
          %dma_start3A_46 = tpu.memref_slice %arg12[%dma_start3A_44, %dma_start3A_45] : memref<10112x128xf32, #tpu.memory_space<vmem_shared>> -> memref<10112x128xf32, #tpu.memory_space<vmem_shared>>
          tpu.enqueue_indirect_dma source(%arg11 : memref<128x128xf32, #tpu.memory_space<vmem>>) target(%dma_start3A_46 : memref<10112x128xf32, #tpu.memory_space<vmem_shared>>) offsets(%dma_start3A_43 : memref<128xi32, #tpu.memory_space<vmem>>) semaphore(%run_scoped3A : memref<!tpu.dma_semaphore, #tpu.memory_space<semaphore_mem>>) {add = true}
          %dma_wait3A_47 = arith.constant 0 : i32
          %dma_wait3A_48 = tpu.memref_slice %arg10[%scan3A_30, %dma_wait3A_47] : memref<114x128xi32, #tpu.memory_space<vmem>> -> memref<1x128xi32, #tpu.memory_space<vmem>>
          %dma_wait3A_49 = tpu.memref_squeeze %dma_wait3A_48 : memref<1x128xi32, #tpu.memory_space<vmem>> -> memref<128xi32, #tpu.memory_space<vmem>>
          %dma_wait3A_50 = arith.constant 0 : i32
          %dma_wait3A_51 = arith.constant 0 : i32
          %dma_wait3A_52 = tpu.memref_slice %arg12[%dma_wait3A_50, %dma_wait3A_51] : memref<10112x128xf32, #tpu.memory_space<vmem_shared>> -> memref<10112x128xf32, #tpu.memory_space<vmem_shared>>
          tpu.wait_indirect_dma semaphore(%run_scoped3A : memref<!tpu.dma_semaphore, #tpu.memory_space<semaphore_mem>>) src(%arg11 : memref<128x128xf32, #tpu.memory_space<vmem>>) dst(%dma_wait3A_52 : memref<10112x128xf32, #tpu.memory_space<vmem_shared>>)
          tpu.yield
        }) : () -> ()
      }
      %scan3A_29 = arith.constant 114 : i32
    } else {
    }
    %eq3A_15 = arith.constant 1 : i32
    %eq3A_16 = arith.cmpi eq, %arg0, %eq3A_15 : i32
    %convert_element_type3A_17 = arith.extui %eq3A_16 : i1 to i32
    %cond3A_18 = arith.constant 0 : i32
    %cond3A_19 = arith.cmpi ne, %convert_element_type3A_17, %cond3A_18 : i32
    scf.if %cond3A_19 {
      %scan3A = arith.constant 0 : i32
      %scan3A_25 = arith.constant 0 : i32
      %scan3A_26 = arith.constant 46 : i32
      %scan3A_27 = arith.addi %scan3A_25, %scan3A_26 : i32
      %scan3A_28 = arith.constant 1 : i32
      scf.for %scan3A_30 = %scan3A_25 to %scan3A_27 step %scan3A_28  : i32 {
        %dma_start3A = arith.constant 0 : i32
        %dma_start3A_31 = tpu.memref_slice %arg9[%scan3A_30, %dma_start3A] : memref<114x128xi32, #tpu.memory_space<vmem>> -> memref<1x128xi32, #tpu.memory_space<vmem>>
        %dma_start3A_32 = tpu.memref_squeeze %dma_start3A_31 : memref<1x128xi32, #tpu.memory_space<vmem>> -> memref<128xi32, #tpu.memory_space<vmem>>
        %dma_start3A_33 = arith.constant 0 : i32
        %dma_start3A_34 = arith.constant 0 : i32
        %dma_start3A_35 = tpu.memref_slice %arg2[%dma_start3A_33, %dma_start3A_34] : memref<10112x128xf32, #tpu.memory_space<hbm>> -> memref<10112x128xf32, #tpu.memory_space<hbm>>
        tpu.enqueue_indirect_dma source(%dma_start3A_35 : memref<10112x128xf32, #tpu.memory_space<hbm>>) target(%arg11 : memref<128x128xf32, #tpu.memory_space<vmem>>) offsets(%dma_start3A_32 : memref<128xi32, #tpu.memory_space<vmem>>) semaphore(%arg13 : memref<!tpu.dma_semaphore, #tpu.memory_space<semaphore_mem>>)
        %dma_wait3A = arith.constant 0 : i32
        %dma_wait3A_36 = tpu.memref_slice %arg9[%scan3A_30, %dma_wait3A] : memref<114x128xi32, #tpu.memory_space<vmem>> -> memref<1x128xi32, #tpu.memory_space<vmem>>
        %dma_wait3A_37 = tpu.memref_squeeze %dma_wait3A_36 : memref<1x128xi32, #tpu.memory_space<vmem>> -> memref<128xi32, #tpu.memory_space<vmem>>
        %dma_wait3A_38 = arith.constant 0 : i32
        %dma_wait3A_39 = arith.constant 0 : i32
        %dma_wait3A_40 = tpu.memref_slice %arg2[%dma_wait3A_38, %dma_wait3A_39] : memref<10112x128xf32, #tpu.memory_space<hbm>> -> memref<10112x128xf32, #tpu.memory_space<hbm>>
        tpu.wait_indirect_dma semaphore(%arg13 : memref<!tpu.dma_semaphore, #tpu.memory_space<semaphore_mem>>) src(%dma_wait3A_40 : memref<10112x128xf32, #tpu.memory_space<hbm>>) dst(%arg11 : memref<128x128xf32, #tpu.memory_space<vmem>>)
        "tpu.region"() ({
          %run_scoped3A = tpu.sem_alloc : memref<!tpu.dma_semaphore, #tpu.memory_space<semaphore_mem>>
          %dma_start3A_41 = arith.constant 0 : i32
          %dma_start3A_42 = tpu.memref_slice %arg10[%scan3A_30, %dma_start3A_41] : memref<114x128xi32, #tpu.memory_space<vmem>> -> memref<1x128xi32, #tpu.memory_space<vmem>>
          %dma_start3A_43 = tpu.memref_squeeze %dma_start3A_42 : memref<1x128xi32, #tpu.memory_space<vmem>> -> memref<128xi32, #tpu.memory_space<vmem>>
          %dma_start3A_44 = arith.constant 0 : i32
          %dma_start3A_45 = arith.constant 0 : i32
          %dma_start3A_46 = tpu.memref_slice %arg12[%dma_start3A_44, %dma_start3A_45] : memref<10112x128xf32, #tpu.memory_space<vmem_shared>> -> memref<10112x128xf32, #tpu.memory_space<vmem_shared>>
          tpu.enqueue_indirect_dma source(%arg11 : memref<128x128xf32, #tpu.memory_space<vmem>>) target(%dma_start3A_46 : memref<10112x128xf32, #tpu.memory_space<vmem_shared>>) offsets(%dma_start3A_43 : memref<128xi32, #tpu.memory_space<vmem>>) semaphore(%run_scoped3A : memref<!tpu.dma_semaphore, #tpu.memory_space<semaphore_mem>>) {add = true}
          %dma_wait3A_47 = arith.constant 0 : i32
          %dma_wait3A_48 = tpu.memref_slice %arg10[%scan3A_30, %dma_wait3A_47] : memref<114x128xi32, #tpu.memory_space<vmem>> -> memref<1x128xi32, #tpu.memory_space<vmem>>
          %dma_wait3A_49 = tpu.memref_squeeze %dma_wait3A_48 : memref<1x128xi32, #tpu.memory_space<vmem>> -> memref<128xi32, #tpu.memory_space<vmem>>
          %dma_wait3A_50 = arith.constant 0 : i32
          %dma_wait3A_51 = arith.constant 0 : i32
          %dma_wait3A_52 = tpu.memref_slice %arg12[%dma_wait3A_50, %dma_wait3A_51] : memref<10112x128xf32, #tpu.memory_space<vmem_shared>> -> memref<10112x128xf32, #tpu.memory_space<vmem_shared>>
          tpu.wait_indirect_dma semaphore(%run_scoped3A : memref<!tpu.dma_semaphore, #tpu.memory_space<semaphore_mem>>) src(%arg11 : memref<128x128xf32, #tpu.memory_space<vmem>>) dst(%dma_wait3A_52 : memref<10112x128xf32, #tpu.memory_space<vmem_shared>>)
          tpu.yield
        }) : () -> ()
      }
      %scan3A_29 = arith.constant 46 : i32
    } else {
    }
    %barrier3A_20 = arith.constant 0 : index
    tpu.barrier barrier_id(%barrier3A_20)
    %mul3A_21 = arith.constant 632 : i32
    %mul3A_22 = arith.muli %arg1, %mul3A_21 : i32
    %mul3A_23 = arith.constant 632 : i32
    %mul3A_24 = arith.muli %arg1, %mul3A_23 : i32
    "tpu.region"() ({
      %run_scoped3A = tpu.sem_alloc : memref<!tpu.dma_semaphore, #tpu.memory_space<semaphore_mem>>
      %dma_start3A = arith.constant 0 : i32
      %dma_start3A_25 = tpu.memref_slice %arg8[%arg0, %mul3A_24, %dma_start3A] : memref<2x10112x128xf32, #tpu.memory_space<hbm>> -> memref<1x632x128xf32, #tpu.memory_space<hbm>>
      %dma_start3A_26 = tpu.memref_squeeze %dma_start3A_25 : memref<1x632x128xf32, #tpu.memory_space<hbm>> -> memref<632x128xf32, #tpu.memory_space<hbm>>
      %dma_start3A_27 = arith.constant 0 : i32
      %dma_start3A_28 = tpu.memref_slice %arg12[%mul3A_22, %dma_start3A_27] : memref<10112x128xf32, #tpu.memory_space<vmem_shared>> -> memref<632x128xf32, #tpu.memory_space<vmem_shared>>
      tpu.enqueue_dma source(%dma_start3A_28 : memref<632x128xf32, #tpu.memory_space<vmem_shared>>) target(%dma_start3A_26 : memref<632x128xf32, #tpu.memory_space<hbm>>) target_semaphore(%run_scoped3A : memref<!tpu.dma_semaphore, #tpu.memory_space<semaphore_mem>>)
      %dma_wait3A = arith.constant 0 : i32
      %dma_wait3A_29 = tpu.memref_slice %arg8[%arg0, %mul3A_24, %dma_wait3A] : memref<2x10112x128xf32, #tpu.memory_space<hbm>> -> memref<1x632x128xf32, #tpu.memory_space<hbm>>
      %dma_wait3A_30 = tpu.memref_squeeze %dma_wait3A_29 : memref<1x632x128xf32, #tpu.memory_space<hbm>> -> memref<632x128xf32, #tpu.memory_space<hbm>>
      %dma_wait3A_31 = arith.constant 0 : i32
      %dma_wait3A_32 = tpu.memref_slice %arg12[%mul3A_22, %dma_wait3A_31] : memref<10112x128xf32, #tpu.memory_space<vmem_shared>> -> memref<632x128xf32, #tpu.memory_space<vmem_shared>>
      tpu.wait_dma2 semaphore(%run_scoped3A : memref<!tpu.dma_semaphore, #tpu.memory_space<semaphore_mem>>) src(%dma_wait3A_32 : memref<632x128xf32, #tpu.memory_space<vmem_shared>>) dst(%dma_wait3A_30 : memref<632x128xf32, #tpu.memory_space<hbm>>)
      tpu.yield
    }) : () -> ()
    return
  }
}

#map = affine_map<(d0, d1) -> (0, 0)>
#map1 = affine_map<(d0, d1) -> (0, 0, 0)>
module attributes {stable_mosaic.version = 14 : i64} {
  func.func @_sc_scatter(%arg0: i32, %arg1: i32, %arg2: memref<10112x128xf32, #tpu.memory_space<hbm>>, %arg3: memref<16x114x128xi32, #tpu.memory_space<hbm>>, %arg4: memref<16x114x128xi32, #tpu.memory_space<hbm>>, %arg5: memref<16x46x128xi32, #tpu.memory_space<hbm>>, %arg6: memref<16x46x128xi32, #tpu.memory_space<hbm>>, %arg7: memref<10112x128xf32, #tpu.memory_space<hbm>>, %arg8: memref<2x10112x128xf32, #tpu.memory_space<hbm>>, %arg9: memref<114x128xi32, #tpu.memory_space<vmem>>, %arg10: memref<114x128xi32, #tpu.memory_space<vmem>>, %arg11: memref<128x128xf32, #tpu.memory_space<vmem>>, %arg12: memref<10112x128xf32, #tpu.memory_space<vmem_shared>>, %arg13: memref<!tpu.dma_semaphore, #tpu.memory_space<semaphore_mem>>) attributes {dimension_semantics = [#tpu.dimension_semantics<core_parallel>, #tpu.dimension_semantics<subcore_parallel>], iteration_bounds = array<i64: 2, 16>, scalar_prefetch = 0 : i64, scratch_operands = 5 : i64, tpu.core_type = #tpu.core_type<sc_vector_subcore>, window_params = [{transform_indices = #map}, {transform_indices = #map1}, {transform_indices = #map1}, {transform_indices = #map1}, {transform_indices = #map1}, {transform_indices = #map}, {transform_indices = #map1}]} {
    %eq3A = arith.constant 0 : i32
    %eq3A_0 = arith.cmpi eq, %arg0, %eq3A : i32
    %convert_element_type3A = arith.extui %eq3A_0 : i1 to i32
    %cond3A = arith.constant 0 : i32
    %cond3A_1 = arith.cmpi ne, %convert_element_type3A, %cond3A : i32
    scf.if %cond3A_1 {
      "tpu.region"() ({
        %run_scoped3A = tpu.sem_alloc : memref<!tpu.dma_semaphore, #tpu.memory_space<semaphore_mem>>
        %dma_start3A = arith.constant 0 : i32
        %dma_start3A_25 = arith.constant 0 : i32
        %dma_start3A_26 = tpu.memref_slice %arg9[%dma_start3A, %dma_start3A_25] : memref<114x128xi32, #tpu.memory_space<vmem>> -> memref<114x128xi32, #tpu.memory_space<vmem>>
        %dma_start3A_27 = arith.constant 0 : i32
        %dma_start3A_28 = arith.constant 0 : i32
        %dma_start3A_29 = tpu.memref_slice %arg3[%arg1, %dma_start3A_27, %dma_start3A_28] : memref<16x114x128xi32, #tpu.memory_space<hbm>> -> memref<1x114x128xi32, #tpu.memory_space<hbm>>
        %dma_start3A_30 = tpu.memref_squeeze %dma_start3A_29 : memref<1x114x128xi32, #tpu.memory_space<hbm>> -> memref<114x128xi32, #tpu.memory_space<hbm>>
        %dma_start3A_31 = arith.constant 0 : i32
        %dma_start3A_32 = arith.constant 0 : i32
        %dma_start3A_33 = tpu.memref_slice %arg9[%dma_start3A_31, %dma_start3A_32] : memref<114x128xi32, #tpu.memory_space<vmem>> -> memref<114x128xi32, #tpu.memory_space<vmem>>
        %dma_start3A_34 = arith.constant 0 : i32
        %dma_start3A_35 = arith.constant 0 : i32
        %dma_start3A_36 = tpu.memref_slice %arg3[%arg1, %dma_start3A_34, %dma_start3A_35] : memref<16x114x128xi32, #tpu.memory_space<hbm>> -> memref<1x114x128xi32, #tpu.memory_space<hbm>>
        %dma_start3A_37 = tpu.memref_squeeze %dma_start3A_36 : memref<1x114x128xi32, #tpu.memory_space<hbm>> -> memref<114x128xi32, #tpu.memory_space<hbm>>
        tpu.enqueue_dma source(%dma_start3A_37 : memref<114x128xi32, #tpu.memory_space<hbm>>) target(%dma_start3A_33 : memref<114x128xi32, #tpu.memory_space<vmem>>) target_semaphore(%run_scoped3A : memref<!tpu.dma_semaphore, #tpu.memory_space<semaphore_mem>>)
        %dma_wait3A = arith.constant 0 : i32
        %dma_wait3A_38 = arith.constant 0 : i32
        %dma_wait3A_39 = tpu.memref_slice %arg9[%dma_wait3A, %dma_wait3A_38] : memref<114x128xi32, #tpu.memory_space<vmem>> -> memref<114x128xi32, #tpu.memory_space<vmem>>
        %dma_wait3A_40 = arith.constant 0 : i32
        %dma_wait3A_41 = arith.constant 0 : i32
        %dma_wait3A_42 = tpu.memref_slice %arg3[%arg1, %dma_wait3A_40, %dma_wait3A_41] : memref<16x114x128xi32, #tpu.memory_space<hbm>> -> memref<1x114x128xi32, #tpu.memory_space<hbm>>
        %dma_wait3A_43 = tpu.memref_squeeze %dma_wait3A_42 : memref<1x114x128xi32, #tpu.memory_space<hbm>> -> memref<114x128xi32, #tpu.memory_space<hbm>>
        %dma_wait3A_44 = arith.constant 0 : i32
        %dma_wait3A_45 = arith.constant 0 : i32
        %dma_wait3A_46 = tpu.memref_slice %arg9[%dma_wait3A_44, %dma_wait3A_45] : memref<114x128xi32, #tpu.memory_space<vmem>> -> memref<114x128xi32, #tpu.memory_space<vmem>>
        %dma_wait3A_47 = arith.constant 0 : i32
        %dma_wait3A_48 = arith.constant 0 : i32
        %dma_wait3A_49 = tpu.memref_slice %arg3[%arg1, %dma_wait3A_47, %dma_wait3A_48] : memref<16x114x128xi32, #tpu.memory_space<hbm>> -> memref<1x114x128xi32, #tpu.memory_space<hbm>>
        %dma_wait3A_50 = tpu.memref_squeeze %dma_wait3A_49 : memref<1x114x128xi32, #tpu.memory_space<hbm>> -> memref<114x128xi32, #tpu.memory_space<hbm>>
        tpu.wait_dma2 semaphore(%run_scoped3A : memref<!tpu.dma_semaphore, #tpu.memory_space<semaphore_mem>>) src(%dma_wait3A_50 : memref<114x128xi32, #tpu.memory_space<hbm>>) dst(%dma_wait3A_46 : memref<114x128xi32, #tpu.memory_space<vmem>>)
        tpu.yield
      }) : () -> ()
      "tpu.region"() ({
        %run_scoped3A = tpu.sem_alloc : memref<!tpu.dma_semaphore, #tpu.memory_space<semaphore_mem>>
        %dma_start3A = arith.constant 0 : i32
        %dma_start3A_25 = arith.constant 0 : i32
        %dma_start3A_26 = tpu.memref_slice %arg10[%dma_start3A, %dma_start3A_25] : memref<114x128xi32, #tpu.memory_space<vmem>> -> memref<114x128xi32, #tpu.memory_space<vmem>>
        %dma_start3A_27 = arith.constant 0 : i32
        %dma_start3A_28 = arith.constant 0 : i32
        %dma_start3A_29 = tpu.memref_slice %arg4[%arg1, %dma_start3A_27, %dma_start3A_28] : memref<16x114x128xi32, #tpu.memory_space<hbm>> -> memref<1x114x128xi32, #tpu.memory_space<hbm>>
        %dma_start3A_30 = tpu.memref_squeeze %dma_start3A_29 : memref<1x114x128xi32, #tpu.memory_space<hbm>> -> memref<114x128xi32, #tpu.memory_space<hbm>>
        %dma_start3A_31 = arith.constant 0 : i32
        %dma_start3A_32 = arith.constant 0 : i32
        %dma_start3A_33 = tpu.memref_slice %arg10[%dma_start3A_31, %dma_start3A_32] : memref<114x128xi32, #tpu.memory_space<vmem>> -> memref<114x128xi32, #tpu.memory_space<vmem>>
        %dma_start3A_34 = arith.constant 0 : i32
        %dma_start3A_35 = arith.constant 0 : i32
        %dma_start3A_36 = tpu.memref_slice %arg4[%arg1, %dma_start3A_34, %dma_start3A_35] : memref<16x114x128xi32, #tpu.memory_space<hbm>> -> memref<1x114x128xi32, #tpu.memory_space<hbm>>
        %dma_start3A_37 = tpu.memref_squeeze %dma_start3A_36 : memref<1x114x128xi32, #tpu.memory_space<hbm>> -> memref<114x128xi32, #tpu.memory_space<hbm>>
        tpu.enqueue_dma source(%dma_start3A_37 : memref<114x128xi32, #tpu.memory_space<hbm>>) target(%dma_start3A_33 : memref<114x128xi32, #tpu.memory_space<vmem>>) target_semaphore(%run_scoped3A : memref<!tpu.dma_semaphore, #tpu.memory_space<semaphore_mem>>)
        %dma_wait3A = arith.constant 0 : i32
        %dma_wait3A_38 = arith.constant 0 : i32
        %dma_wait3A_39 = tpu.memref_slice %arg10[%dma_wait3A, %dma_wait3A_38] : memref<114x128xi32, #tpu.memory_space<vmem>> -> memref<114x128xi32, #tpu.memory_space<vmem>>
        %dma_wait3A_40 = arith.constant 0 : i32
        %dma_wait3A_41 = arith.constant 0 : i32
        %dma_wait3A_42 = tpu.memref_slice %arg4[%arg1, %dma_wait3A_40, %dma_wait3A_41] : memref<16x114x128xi32, #tpu.memory_space<hbm>> -> memref<1x114x128xi32, #tpu.memory_space<hbm>>
        %dma_wait3A_43 = tpu.memref_squeeze %dma_wait3A_42 : memref<1x114x128xi32, #tpu.memory_space<hbm>> -> memref<114x128xi32, #tpu.memory_space<hbm>>
        %dma_wait3A_44 = arith.constant 0 : i32
        %dma_wait3A_45 = arith.constant 0 : i32
        %dma_wait3A_46 = tpu.memref_slice %arg10[%dma_wait3A_44, %dma_wait3A_45] : memref<114x128xi32, #tpu.memory_space<vmem>> -> memref<114x128xi32, #tpu.memory_space<vmem>>
        %dma_wait3A_47 = arith.constant 0 : i32
        %dma_wait3A_48 = arith.constant 0 : i32
        %dma_wait3A_49 = tpu.memref_slice %arg4[%arg1, %dma_wait3A_47, %dma_wait3A_48] : memref<16x114x128xi32, #tpu.memory_space<hbm>> -> memref<1x114x128xi32, #tpu.memory_space<hbm>>
        %dma_wait3A_50 = tpu.memref_squeeze %dma_wait3A_49 : memref<1x114x128xi32, #tpu.memory_space<hbm>> -> memref<114x128xi32, #tpu.memory_space<hbm>>
        tpu.wait_dma2 semaphore(%run_scoped3A : memref<!tpu.dma_semaphore, #tpu.memory_space<semaphore_mem>>) src(%dma_wait3A_50 : memref<114x128xi32, #tpu.memory_space<hbm>>) dst(%dma_wait3A_46 : memref<114x128xi32, #tpu.memory_space<vmem>>)
        tpu.yield
      }) : () -> ()
    } else {
    }
    %eq3A_2 = arith.constant 1 : i32
    %eq3A_3 = arith.cmpi eq, %arg0, %eq3A_2 : i32
    %convert_element_type3A_4 = arith.extui %eq3A_3 : i1 to i32
    %cond3A_5 = arith.constant 0 : i32
    %cond3A_6 = arith.cmpi ne, %convert_element_type3A_4, %cond3A_5 : i32
    scf.if %cond3A_6 {
      "tpu.region"() ({
        %run_scoped3A = tpu.sem_alloc : memref<!tpu.dma_semaphore, #tpu.memory_space<semaphore_mem>>
        %dma_start3A = arith.constant 0 : i32
        %dma_start3A_25 = arith.constant 0 : i32
        %dma_start3A_26 = tpu.memref_slice %arg9[%dma_start3A, %dma_start3A_25] : memref<114x128xi32, #tpu.memory_space<vmem>> -> memref<46x128xi32, #tpu.memory_space<vmem>>
        %dma_start3A_27 = arith.constant 0 : i32
        %dma_start3A_28 = arith.constant 0 : i32
        %dma_start3A_29 = tpu.memref_slice %arg5[%arg1, %dma_start3A_27, %dma_start3A_28] : memref<16x46x128xi32, #tpu.memory_space<hbm>> -> memref<1x46x128xi32, #tpu.memory_space<hbm>>
        %dma_start3A_30 = tpu.memref_squeeze %dma_start3A_29 : memref<1x46x128xi32, #tpu.memory_space<hbm>> -> memref<46x128xi32, #tpu.memory_space<hbm>>
        %dma_start3A_31 = arith.constant 0 : i32
        %dma_start3A_32 = arith.constant 0 : i32
        %dma_start3A_33 = tpu.memref_slice %arg9[%dma_start3A_31, %dma_start3A_32] : memref<114x128xi32, #tpu.memory_space<vmem>> -> memref<46x128xi32, #tpu.memory_space<vmem>>
        %dma_start3A_34 = arith.constant 0 : i32
        %dma_start3A_35 = arith.constant 0 : i32
        %dma_start3A_36 = tpu.memref_slice %arg5[%arg1, %dma_start3A_34, %dma_start3A_35] : memref<16x46x128xi32, #tpu.memory_space<hbm>> -> memref<1x46x128xi32, #tpu.memory_space<hbm>>
        %dma_start3A_37 = tpu.memref_squeeze %dma_start3A_36 : memref<1x46x128xi32, #tpu.memory_space<hbm>> -> memref<46x128xi32, #tpu.memory_space<hbm>>
        tpu.enqueue_dma source(%dma_start3A_37 : memref<46x128xi32, #tpu.memory_space<hbm>>) target(%dma_start3A_33 : memref<46x128xi32, #tpu.memory_space<vmem>>) target_semaphore(%run_scoped3A : memref<!tpu.dma_semaphore, #tpu.memory_space<semaphore_mem>>)
        %dma_wait3A = arith.constant 0 : i32
        %dma_wait3A_38 = arith.constant 0 : i32
        %dma_wait3A_39 = tpu.memref_slice %arg9[%dma_wait3A, %dma_wait3A_38] : memref<114x128xi32, #tpu.memory_space<vmem>> -> memref<46x128xi32, #tpu.memory_space<vmem>>
        %dma_wait3A_40 = arith.constant 0 : i32
        %dma_wait3A_41 = arith.constant 0 : i32
        %dma_wait3A_42 = tpu.memref_slice %arg5[%arg1, %dma_wait3A_40, %dma_wait3A_41] : memref<16x46x128xi32, #tpu.memory_space<hbm>> -> memref<1x46x128xi32, #tpu.memory_space<hbm>>
        %dma_wait3A_43 = tpu.memref_squeeze %dma_wait3A_42 : memref<1x46x128xi32, #tpu.memory_space<hbm>> -> memref<46x128xi32, #tpu.memory_space<hbm>>
        %dma_wait3A_44 = arith.constant 0 : i32
        %dma_wait3A_45 = arith.constant 0 : i32
        %dma_wait3A_46 = tpu.memref_slice %arg9[%dma_wait3A_44, %dma_wait3A_45] : memref<114x128xi32, #tpu.memory_space<vmem>> -> memref<46x128xi32, #tpu.memory_space<vmem>>
        %dma_wait3A_47 = arith.constant 0 : i32
        %dma_wait3A_48 = arith.constant 0 : i32
        %dma_wait3A_49 = tpu.memref_slice %arg5[%arg1, %dma_wait3A_47, %dma_wait3A_48] : memref<16x46x128xi32, #tpu.memory_space<hbm>> -> memref<1x46x128xi32, #tpu.memory_space<hbm>>
        %dma_wait3A_50 = tpu.memref_squeeze %dma_wait3A_49 : memref<1x46x128xi32, #tpu.memory_space<hbm>> -> memref<46x128xi32, #tpu.memory_space<hbm>>
        tpu.wait_dma2 semaphore(%run_scoped3A : memref<!tpu.dma_semaphore, #tpu.memory_space<semaphore_mem>>) src(%dma_wait3A_50 : memref<46x128xi32, #tpu.memory_space<hbm>>) dst(%dma_wait3A_46 : memref<46x128xi32, #tpu.memory_space<vmem>>)
        tpu.yield
      }) : () -> ()
      "tpu.region"() ({
        %run_scoped3A = tpu.sem_alloc : memref<!tpu.dma_semaphore, #tpu.memory_space<semaphore_mem>>
        %dma_start3A = arith.constant 0 : i32
        %dma_start3A_25 = arith.constant 0 : i32
        %dma_start3A_26 = tpu.memref_slice %arg10[%dma_start3A, %dma_start3A_25] : memref<114x128xi32, #tpu.memory_space<vmem>> -> memref<46x128xi32, #tpu.memory_space<vmem>>
        %dma_start3A_27 = arith.constant 0 : i32
        %dma_start3A_28 = arith.constant 0 : i32
        %dma_start3A_29 = tpu.memref_slice %arg6[%arg1, %dma_start3A_27, %dma_start3A_28] : memref<16x46x128xi32, #tpu.memory_space<hbm>> -> memref<1x46x128xi32, #tpu.memory_space<hbm>>
        %dma_start3A_30 = tpu.memref_squeeze %dma_start3A_29 : memref<1x46x128xi32, #tpu.memory_space<hbm>> -> memref<46x128xi32, #tpu.memory_space<hbm>>
        %dma_start3A_31 = arith.constant 0 : i32
        %dma_start3A_32 = arith.constant 0 : i32
        %dma_start3A_33 = tpu.memref_slice %arg10[%dma_start3A_31, %dma_start3A_32] : memref<114x128xi32, #tpu.memory_space<vmem>> -> memref<46x128xi32, #tpu.memory_space<vmem>>
        %dma_start3A_34 = arith.constant 0 : i32
        %dma_start3A_35 = arith.constant 0 : i32
        %dma_start3A_36 = tpu.memref_slice %arg6[%arg1, %dma_start3A_34, %dma_start3A_35] : memref<16x46x128xi32, #tpu.memory_space<hbm>> -> memref<1x46x128xi32, #tpu.memory_space<hbm>>
        %dma_start3A_37 = tpu.memref_squeeze %dma_start3A_36 : memref<1x46x128xi32, #tpu.memory_space<hbm>> -> memref<46x128xi32, #tpu.memory_space<hbm>>
        tpu.enqueue_dma source(%dma_start3A_37 : memref<46x128xi32, #tpu.memory_space<hbm>>) target(%dma_start3A_33 : memref<46x128xi32, #tpu.memory_space<vmem>>) target_semaphore(%run_scoped3A : memref<!tpu.dma_semaphore, #tpu.memory_space<semaphore_mem>>)
        %dma_wait3A = arith.constant 0 : i32
        %dma_wait3A_38 = arith.constant 0 : i32
        %dma_wait3A_39 = tpu.memref_slice %arg10[%dma_wait3A, %dma_wait3A_38] : memref<114x128xi32, #tpu.memory_space<vmem>> -> memref<46x128xi32, #tpu.memory_space<vmem>>
        %dma_wait3A_40 = arith.constant 0 : i32
        %dma_wait3A_41 = arith.constant 0 : i32
        %dma_wait3A_42 = tpu.memref_slice %arg6[%arg1, %dma_wait3A_40, %dma_wait3A_41] : memref<16x46x128xi32, #tpu.memory_space<hbm>> -> memref<1x46x128xi32, #tpu.memory_space<hbm>>
        %dma_wait3A_43 = tpu.memref_squeeze %dma_wait3A_42 : memref<1x46x128xi32, #tpu.memory_space<hbm>> -> memref<46x128xi32, #tpu.memory_space<hbm>>
        %dma_wait3A_44 = arith.constant 0 : i32
        %dma_wait3A_45 = arith.constant 0 : i32
        %dma_wait3A_46 = tpu.memref_slice %arg10[%dma_wait3A_44, %dma_wait3A_45] : memref<114x128xi32, #tpu.memory_space<vmem>> -> memref<46x128xi32, #tpu.memory_space<vmem>>
        %dma_wait3A_47 = arith.constant 0 : i32
        %dma_wait3A_48 = arith.constant 0 : i32
        %dma_wait3A_49 = tpu.memref_slice %arg6[%arg1, %dma_wait3A_47, %dma_wait3A_48] : memref<16x46x128xi32, #tpu.memory_space<hbm>> -> memref<1x46x128xi32, #tpu.memory_space<hbm>>
        %dma_wait3A_50 = tpu.memref_squeeze %dma_wait3A_49 : memref<1x46x128xi32, #tpu.memory_space<hbm>> -> memref<46x128xi32, #tpu.memory_space<hbm>>
        tpu.wait_dma2 semaphore(%run_scoped3A : memref<!tpu.dma_semaphore, #tpu.memory_space<semaphore_mem>>) src(%dma_wait3A_50 : memref<46x128xi32, #tpu.memory_space<hbm>>) dst(%dma_wait3A_46 : memref<46x128xi32, #tpu.memory_space<vmem>>)
        tpu.yield
      }) : () -> ()
    } else {
    }
    %mul3A = arith.constant 632 : i32
    %mul3A_7 = arith.muli %arg1, %mul3A : i32
    %mul3A_8 = arith.constant 632 : i32
    %mul3A_9 = arith.muli %arg1, %mul3A_8 : i32
    "tpu.region"() ({
      %run_scoped3A = tpu.sem_alloc : memref<!tpu.dma_semaphore, #tpu.memory_space<semaphore_mem>>
      %dma_start3A = arith.constant 0 : i32
      %dma_start3A_25 = tpu.memref_slice %arg12[%mul3A_9, %dma_start3A] : memref<10112x128xf32, #tpu.memory_space<vmem_shared>> -> memref<632x128xf32, #tpu.memory_space<vmem_shared>>
      %dma_start3A_26 = arith.constant 0 : i32
      %dma_start3A_27 = tpu.memref_slice %arg7[%mul3A_7, %dma_start3A_26] : memref<10112x128xf32, #tpu.memory_space<hbm>> -> memref<632x128xf32, #tpu.memory_space<hbm>>
      tpu.enqueue_dma source(%dma_start3A_27 : memref<632x128xf32, #tpu.memory_space<hbm>>) target(%dma_start3A_25 : memref<632x128xf32, #tpu.memory_space<vmem_shared>>) target_semaphore(%run_scoped3A : memref<!tpu.dma_semaphore, #tpu.memory_space<semaphore_mem>>)
      %dma_wait3A = arith.constant 0 : i32
      %dma_wait3A_28 = tpu.memref_slice %arg12[%mul3A_9, %dma_wait3A] : memref<10112x128xf32, #tpu.memory_space<vmem_shared>> -> memref<632x128xf32, #tpu.memory_space<vmem_shared>>
      %dma_wait3A_29 = arith.constant 0 : i32
      %dma_wait3A_30 = tpu.memref_slice %arg7[%mul3A_7, %dma_wait3A_29] : memref<10112x128xf32, #tpu.memory_space<hbm>> -> memref<632x128xf32, #tpu.memory_space<hbm>>
      tpu.wait_dma2 semaphore(%run_scoped3A : memref<!tpu.dma_semaphore, #tpu.memory_space<semaphore_mem>>) src(%dma_wait3A_30 : memref<632x128xf32, #tpu.memory_space<hbm>>) dst(%dma_wait3A_28 : memref<632x128xf32, #tpu.memory_space<vmem_shared>>)
      tpu.yield
    }) : () -> ()
    %barrier3A = arith.constant 0 : index
    tpu.barrier barrier_id(%barrier3A)
    %eq3A_10 = arith.constant 0 : i32
    %eq3A_11 = arith.cmpi eq, %arg0, %eq3A_10 : i32
    %convert_element_type3A_12 = arith.extui %eq3A_11 : i1 to i32
    %cond3A_13 = arith.constant 0 : i32
    %cond3A_14 = arith.cmpi ne, %convert_element_type3A_12, %cond3A_13 : i32
    scf.if %cond3A_14 {
      %scan3A = arith.constant 0 : i32
      %scan3A_25 = arith.constant 0 : i32
      %scan3A_26 = arith.constant 114 : i32
      %scan3A_27 = arith.addi %scan3A_25, %scan3A_26 : i32
      %scan3A_28 = arith.constant 1 : i32
      scf.for %scan3A_30 = %scan3A_25 to %scan3A_27 step %scan3A_28  : i32 {
        %dma_start3A = arith.constant 0 : i32
        %dma_start3A_31 = tpu.memref_slice %arg9[%scan3A_30, %dma_start3A] : memref<114x128xi32, #tpu.memory_space<vmem>> -> memref<1x128xi32, #tpu.memory_space<vmem>>
        %dma_start3A_32 = tpu.memref_squeeze %dma_start3A_31 : memref<1x128xi32, #tpu.memory_space<vmem>> -> memref<128xi32, #tpu.memory_space<vmem>>
        %dma_start3A_33 = arith.constant 0 : i32
        %dma_start3A_34 = arith.constant 0 : i32
        %dma_start3A_35 = tpu.memref_slice %arg2[%dma_start3A_33, %dma_start3A_34] : memref<10112x128xf32, #tpu.memory_space<hbm>> -> memref<10112x128xf32, #tpu.memory_space<hbm>>
        tpu.enqueue_indirect_dma source(%dma_start3A_35 : memref<10112x128xf32, #tpu.memory_space<hbm>>) target(%arg11 : memref<128x128xf32, #tpu.memory_space<vmem>>) offsets(%dma_start3A_32 : memref<128xi32, #tpu.memory_space<vmem>>) semaphore(%arg13 : memref<!tpu.dma_semaphore, #tpu.memory_space<semaphore_mem>>)
        %dma_wait3A = arith.constant 0 : i32
        %dma_wait3A_36 = tpu.memref_slice %arg9[%scan3A_30, %dma_wait3A] : memref<114x128xi32, #tpu.memory_space<vmem>> -> memref<1x128xi32, #tpu.memory_space<vmem>>
        %dma_wait3A_37 = tpu.memref_squeeze %dma_wait3A_36 : memref<1x128xi32, #tpu.memory_space<vmem>> -> memref<128xi32, #tpu.memory_space<vmem>>
        %dma_wait3A_38 = arith.constant 0 : i32
        %dma_wait3A_39 = arith.constant 0 : i32
        %dma_wait3A_40 = tpu.memref_slice %arg2[%dma_wait3A_38, %dma_wait3A_39] : memref<10112x128xf32, #tpu.memory_space<hbm>> -> memref<10112x128xf32, #tpu.memory_space<hbm>>
        tpu.wait_indirect_dma semaphore(%arg13 : memref<!tpu.dma_semaphore, #tpu.memory_space<semaphore_mem>>) src(%dma_wait3A_40 : memref<10112x128xf32, #tpu.memory_space<hbm>>) dst(%arg11 : memref<128x128xf32, #tpu.memory_space<vmem>>)
        "tpu.region"() ({
          %run_scoped3A = tpu.sem_alloc : memref<!tpu.dma_semaphore, #tpu.memory_space<semaphore_mem>>
          %dma_start3A_41 = arith.constant 0 : i32
          %dma_start3A_42 = tpu.memref_slice %arg10[%scan3A_30, %dma_start3A_41] : memref<114x128xi32, #tpu.memory_space<vmem>> -> memref<1x128xi32, #tpu.memory_space<vmem>>
          %dma_start3A_43 = tpu.memref_squeeze %dma_start3A_42 : memref<1x128xi32, #tpu.memory_space<vmem>> -> memref<128xi32, #tpu.memory_space<vmem>>
          %dma_start3A_44 = arith.constant 0 : i32
          %dma_start3A_45 = arith.constant 0 : i32
          %dma_start3A_46 = tpu.memref_slice %arg12[%dma_start3A_44, %dma_start3A_45] : memref<10112x128xf32, #tpu.memory_space<vmem_shared>> -> memref<10112x128xf32, #tpu.memory_space<vmem_shared>>
          tpu.enqueue_indirect_dma source(%arg11 : memref<128x128xf32, #tpu.memory_space<vmem>>) target(%dma_start3A_46 : memref<10112x128xf32, #tpu.memory_space<vmem_shared>>) offsets(%dma_start3A_43 : memref<128xi32, #tpu.memory_space<vmem>>) semaphore(%run_scoped3A : memref<!tpu.dma_semaphore, #tpu.memory_space<semaphore_mem>>) {add = true}
          %dma_wait3A_47 = arith.constant 0 : i32
          %dma_wait3A_48 = tpu.memref_slice %arg10[%scan3A_30, %dma_wait3A_47] : memref<114x128xi32, #tpu.memory_space<vmem>> -> memref<1x128xi32, #tpu.memory_space<vmem>>
          %dma_wait3A_49 = tpu.memref_squeeze %dma_wait3A_48 : memref<1x128xi32, #tpu.memory_space<vmem>> -> memref<128xi32, #tpu.memory_space<vmem>>
          %dma_wait3A_50 = arith.constant 0 : i32
          %dma_wait3A_51 = arith.constant 0 : i32
          %dma_wait3A_52 = tpu.memref_slice %arg12[%dma_wait3A_50, %dma_wait3A_51] : memref<10112x128xf32, #tpu.memory_space<vmem_shared>> -> memref<10112x128xf32, #tpu.memory_space<vmem_shared>>
          tpu.wait_indirect_dma semaphore(%run_scoped3A : memref<!tpu.dma_semaphore, #tpu.memory_space<semaphore_mem>>) src(%arg11 : memref<128x128xf32, #tpu.memory_space<vmem>>) dst(%dma_wait3A_52 : memref<10112x128xf32, #tpu.memory_space<vmem_shared>>)
          tpu.yield
        }) : () -> ()
      }
      %scan3A_29 = arith.constant 114 : i32
    } else {
    }
    %eq3A_15 = arith.constant 1 : i32
    %eq3A_16 = arith.cmpi eq, %arg0, %eq3A_15 : i32
    %convert_element_type3A_17 = arith.extui %eq3A_16 : i1 to i32
    %cond3A_18 = arith.constant 0 : i32
    %cond3A_19 = arith.cmpi ne, %convert_element_type3A_17, %cond3A_18 : i32
    scf.if %cond3A_19 {
      %scan3A = arith.constant 0 : i32
      %scan3A_25 = arith.constant 0 : i32
      %scan3A_26 = arith.constant 46 : i32
      %scan3A_27 = arith.addi %scan3A_25, %scan3A_26 : i32
      %scan3A_28 = arith.constant 1 : i32
      scf.for %scan3A_30 = %scan3A_25 to %scan3A_27 step %scan3A_28  : i32 {
        %dma_start3A = arith.constant 0 : i32
        %dma_start3A_31 = tpu.memref_slice %arg9[%scan3A_30, %dma_start3A] : memref<114x128xi32, #tpu.memory_space<vmem>> -> memref<1x128xi32, #tpu.memory_space<vmem>>
        %dma_start3A_32 = tpu.memref_squeeze %dma_start3A_31 : memref<1x128xi32, #tpu.memory_space<vmem>> -> memref<128xi32, #tpu.memory_space<vmem>>
        %dma_start3A_33 = arith.constant 0 : i32
        %dma_start3A_34 = arith.constant 0 : i32
        %dma_start3A_35 = tpu.memref_slice %arg2[%dma_start3A_33, %dma_start3A_34] : memref<10112x128xf32, #tpu.memory_space<hbm>> -> memref<10112x128xf32, #tpu.memory_space<hbm>>
        tpu.enqueue_indirect_dma source(%dma_start3A_35 : memref<10112x128xf32, #tpu.memory_space<hbm>>) target(%arg11 : memref<128x128xf32, #tpu.memory_space<vmem>>) offsets(%dma_start3A_32 : memref<128xi32, #tpu.memory_space<vmem>>) semaphore(%arg13 : memref<!tpu.dma_semaphore, #tpu.memory_space<semaphore_mem>>)
        %dma_wait3A = arith.constant 0 : i32
        %dma_wait3A_36 = tpu.memref_slice %arg9[%scan3A_30, %dma_wait3A] : memref<114x128xi32, #tpu.memory_space<vmem>> -> memref<1x128xi32, #tpu.memory_space<vmem>>
        %dma_wait3A_37 = tpu.memref_squeeze %dma_wait3A_36 : memref<1x128xi32, #tpu.memory_space<vmem>> -> memref<128xi32, #tpu.memory_space<vmem>>
        %dma_wait3A_38 = arith.constant 0 : i32
        %dma_wait3A_39 = arith.constant 0 : i32
        %dma_wait3A_40 = tpu.memref_slice %arg2[%dma_wait3A_38, %dma_wait3A_39] : memref<10112x128xf32, #tpu.memory_space<hbm>> -> memref<10112x128xf32, #tpu.memory_space<hbm>>
        tpu.wait_indirect_dma semaphore(%arg13 : memref<!tpu.dma_semaphore, #tpu.memory_space<semaphore_mem>>) src(%dma_wait3A_40 : memref<10112x128xf32, #tpu.memory_space<hbm>>) dst(%arg11 : memref<128x128xf32, #tpu.memory_space<vmem>>)
        "tpu.region"() ({
          %run_scoped3A = tpu.sem_alloc : memref<!tpu.dma_semaphore, #tpu.memory_space<semaphore_mem>>
          %dma_start3A_41 = arith.constant 0 : i32
          %dma_start3A_42 = tpu.memref_slice %arg10[%scan3A_30, %dma_start3A_41] : memref<114x128xi32, #tpu.memory_space<vmem>> -> memref<1x128xi32, #tpu.memory_space<vmem>>
          %dma_start3A_43 = tpu.memref_squeeze %dma_start3A_42 : memref<1x128xi32, #tpu.memory_space<vmem>> -> memref<128xi32, #tpu.memory_space<vmem>>
          %dma_start3A_44 = arith.constant 0 : i32
          %dma_start3A_45 = arith.constant 0 : i32
          %dma_start3A_46 = tpu.memref_slice %arg12[%dma_start3A_44, %dma_start3A_45] : memref<10112x128xf32, #tpu.memory_space<vmem_shared>> -> memref<10112x128xf32, #tpu.memory_space<vmem_shared>>
          tpu.enqueue_indirect_dma source(%arg11 : memref<128x128xf32, #tpu.memory_space<vmem>>) target(%dma_start3A_46 : memref<10112x128xf32, #tpu.memory_space<vmem_shared>>) offsets(%dma_start3A_43 : memref<128xi32, #tpu.memory_space<vmem>>) semaphore(%run_scoped3A : memref<!tpu.dma_semaphore, #tpu.memory_space<semaphore_mem>>) {add = true}
          %dma_wait3A_47 = arith.constant 0 : i32
          %dma_wait3A_48 = tpu.memref_slice %arg10[%scan3A_30, %dma_wait3A_47] : memref<114x128xi32, #tpu.memory_space<vmem>> -> memref<1x128xi32, #tpu.memory_space<vmem>>
          %dma_wait3A_49 = tpu.memref_squeeze %dma_wait3A_48 : memref<1x128xi32, #tpu.memory_space<vmem>> -> memref<128xi32, #tpu.memory_space<vmem>>
          %dma_wait3A_50 = arith.constant 0 : i32
          %dma_wait3A_51 = arith.constant 0 : i32
          %dma_wait3A_52 = tpu.memref_slice %arg12[%dma_wait3A_50, %dma_wait3A_51] : memref<10112x128xf32, #tpu.memory_space<vmem_shared>> -> memref<10112x128xf32, #tpu.memory_space<vmem_shared>>
          tpu.wait_indirect_dma semaphore(%run_scoped3A : memref<!tpu.dma_semaphore, #tpu.memory_space<semaphore_mem>>) src(%arg11 : memref<128x128xf32, #tpu.memory_space<vmem>>) dst(%dma_wait3A_52 : memref<10112x128xf32, #tpu.memory_space<vmem_shared>>)
          tpu.yield
        }) : () -> ()
      }
      %scan3A_29 = arith.constant 46 : i32
    } else {
    }
    %barrier3A_20 = arith.constant 0 : index
    tpu.barrier barrier_id(%barrier3A_20)
    %mul3A_21 = arith.constant 632 : i32
    %mul3A_22 = arith.muli %arg1, %mul3A_21 : i32
    %mul3A_23 = arith.constant 632 : i32
    %mul3A_24 = arith.muli %arg1, %mul3A_23 : i32
    "tpu.region"() ({
      %run_scoped3A = tpu.sem_alloc : memref<!tpu.dma_semaphore, #tpu.memory_space<semaphore_mem>>
      %dma_start3A = arith.constant 0 : i32
      %dma_start3A_25 = tpu.memref_slice %arg8[%arg0, %mul3A_24, %dma_start3A] : memref<2x10112x128xf32, #tpu.memory_space<hbm>> -> memref<1x632x128xf32, #tpu.memory_space<hbm>>
      %dma_start3A_26 = tpu.memref_squeeze %dma_start3A_25 : memref<1x632x128xf32, #tpu.memory_space<hbm>> -> memref<632x128xf32, #tpu.memory_space<hbm>>
      %dma_start3A_27 = arith.constant 0 : i32
      %dma_start3A_28 = tpu.memref_slice %arg12[%mul3A_22, %dma_start3A_27] : memref<10112x128xf32, #tpu.memory_space<vmem_shared>> -> memref<632x128xf32, #tpu.memory_space<vmem_shared>>
      tpu.enqueue_dma source(%dma_start3A_28 : memref<632x128xf32, #tpu.memory_space<vmem_shared>>) target(%dma_start3A_26 : memref<632x128xf32, #tpu.memory_space<hbm>>) target_semaphore(%run_scoped3A : memref<!tpu.dma_semaphore, #tpu.memory_space<semaphore_mem>>)
      %dma_wait3A = arith.constant 0 : i32
      %dma_wait3A_29 = tpu.memref_slice %arg8[%arg0, %mul3A_24, %dma_wait3A] : memref<2x10112x128xf32, #tpu.memory_space<hbm>> -> memref<1x632x128xf32, #tpu.memory_space<hbm>>
      %dma_wait3A_30 = tpu.memref_squeeze %dma_wait3A_29 : memref<1x632x128xf32, #tpu.memory_space<hbm>> -> memref<632x128xf32, #tpu.memory_space<hbm>>
      %dma_wait3A_31 = arith.constant 0 : i32
      %dma_wait3A_32 = tpu.memref_slice %arg12[%mul3A_22, %dma_wait3A_31] : memref<10112x128xf32, #tpu.memory_space<vmem_shared>> -> memref<632x128xf32, #tpu.memory_space<vmem_shared>>
      tpu.wait_dma2 semaphore(%run_scoped3A : memref<!tpu.dma_semaphore, #tpu.memory_space<semaphore_mem>>) src(%dma_wait3A_32 : memref<632x128xf32, #tpu.memory_space<vmem_shared>>) dst(%dma_wait3A_30 : memref<632x128xf32, #tpu.memory_space<hbm>>)
      tpu.yield
    }) : () -> ()
    return
  }
}

module attributes {stable_mosaic.version = 14 : i64} {
  func.func @_tc1_body(%arg0: memref<2x10112x16xf32, #tpu.memory_space<vmem>>, %arg1: memref<10112x128xf32, #tpu.memory_space<vmem>>, %arg2: memref<128x128xf32, #tpu.memory_space<vmem>>, %arg3: memref<10112x128xf32, #tpu.memory_space<vmem>>, %arg4: memref<10112x128xf32, #tpu.memory_space<vmem>>) attributes {dimension_semantics = [], scalar_prefetch = 0 : i64, scratch_operands = 0 : i64, tpu.core_type = #tpu.core_type<tc>} {
    %get3A = arith.constant 0 : index
    %get3A_0 = arith.constant 0 : index
    %get3A_1 = arith.constant 0 : index
    %get3A_2 = vector.load %arg0[%get3A, %get3A_0, %get3A_1] : memref<2x10112x16xf32, #tpu.memory_space<vmem>>, vector<1x10112x1xf32>
    %get3A_3 = vector.shape_cast %get3A_2 : vector<1x10112x1xf32> to vector<10112x1xf32>
    %get3A_4 = arith.constant 1 : index
    %get3A_5 = arith.constant 0 : index
    %get3A_6 = arith.constant 0 : index
    %get3A_7 = vector.load %arg0[%get3A_4, %get3A_5, %get3A_6] : memref<2x10112x16xf32, #tpu.memory_space<vmem>>, vector<1x10112x1xf32>
    %get3A_8 = vector.shape_cast %get3A_7 : vector<1x10112x1xf32> to vector<10112x1xf32>
    %add3A = arith.addf %get3A_3, %get3A_8 : vector<10112x1xf32>
    %add3A_9 = arith.constant 1.000000e+00 : f32
    %add3A_10 = vector.broadcast %add3A_9 : f32 to vector<10112x1xf32>
    %add3A_11 = arith.addf %add3A, %add3A_10 : vector<10112x1xf32>
    %rsqrt3A = math.rsqrt %add3A_11 : vector<10112x1xf32>
    %broadcast_in_dim3A = vector.shape_cast %rsqrt3A : vector<10112x1xf32> to vector<10112x1xf32>
    %broadcast_in_dim3A_12 = vector.broadcast %broadcast_in_dim3A : vector<10112x1xf32> to vector<10112x128xf32>
    %swap3A = arith.constant 0 : index
    %swap3A_13 = arith.constant 0 : index
    %swap3A_14 = vector.load %arg3[%swap3A, %swap3A_13] : memref<10112x128xf32, #tpu.memory_space<vmem>>, vector<10112x128xf32>
    tpu.vector_store %arg3[%swap3A, %swap3A_13], %broadcast_in_dim3A_12 {strides = array<i32>} : memref<10112x128xf32, #tpu.memory_space<vmem>>, vector<10112x128xf32>,
    %get3A_15 = arith.constant 0 : index
    %get3A_16 = arith.constant 0 : index
    %get3A_17 = vector.load %arg1[%get3A_15, %get3A_16] : memref<10112x128xf32, #tpu.memory_space<vmem>>, vector<10112x128xf32>
    %get3A_18 = arith.constant 0 : index
    %get3A_19 = arith.constant 0 : index
    %get3A_20 = vector.load %arg2[%get3A_18, %get3A_19] : memref<128x128xf32, #tpu.memory_space<vmem>>, vector<128x128xf32>
    %dot_general3A = arith.constant dense<0.000000e+00> : vector<10112x128xf32>
    %dot_general3A_21 = tpu.matmul %get3A_17, %get3A_20, %dot_general3A {dimension_numbers = #tpu.dot_dimension_numbers<[1], [0], [0], [1], [0, 0, 1, 1], [], []>, transpose_lhs_hint = false} : vector<10112x128xf32>, vector<128x128xf32>, vector<10112x128xf32> -> vector<10112x128xf32>
    %mul3A = arith.mulf %dot_general3A_21, %broadcast_in_dim3A_12 : vector<10112x128xf32>
    %swap3A_22 = arith.constant 0 : index
    %swap3A_23 = arith.constant 0 : index
    %swap3A_24 = vector.load %arg4[%swap3A_22, %swap3A_23] : memref<10112x128xf32, #tpu.memory_space<vmem>>, vector<10112x128xf32>
    tpu.vector_store %arg4[%swap3A_22, %swap3A_23], %mul3A {strides = array<i32>} : memref<10112x128xf32, #tpu.memory_space<vmem>>, vector<10112x128xf32>,
    return
  }
}

module attributes {stable_mosaic.version = 14 : i64} {
  func.func @_tc_mid_body(%arg0: memref<2x10112x128xf32, #tpu.memory_space<vmem>>, %arg1: memref<10112x128xf32, #tpu.memory_space<vmem>>, %arg2: memref<10112x128xf32, #tpu.memory_space<vmem>>, %arg3: memref<128xf32, #tpu.memory_space<vmem>>, %arg4: memref<128xf32, #tpu.memory_space<vmem>>, %arg5: memref<128xf32, #tpu.memory_space<vmem>>, %arg6: memref<128x128xf32, #tpu.memory_space<vmem>>, %arg7: memref<10112x128xf32, #tpu.memory_space<vmem>>) attributes {dimension_semantics = [], scalar_prefetch = 0 : i64, scratch_operands = 0 : i64, tpu.core_type = #tpu.core_type<tc>} {
    %get3A = arith.constant 0 : index
    %get3A_0 = arith.constant 0 : index
    %get3A_1 = vector.load %arg2[%get3A, %get3A_0] : memref<10112x128xf32, #tpu.memory_space<vmem>>, vector<10112x128xf32>
    %get3A_2 = arith.constant 0 : index
    %get3A_3 = arith.constant 0 : index
    %get3A_4 = arith.constant 0 : index
    %get3A_5 = vector.load %arg0[%get3A_2, %get3A_3, %get3A_4] : memref<2x10112x128xf32, #tpu.memory_space<vmem>>, vector<1x10112x128xf32>
    %get3A_6 = vector.shape_cast %get3A_5 : vector<1x10112x128xf32> to vector<10112x128xf32>
    %get3A_7 = arith.constant 1 : index
    %get3A_8 = arith.constant 0 : index
    %get3A_9 = arith.constant 0 : index
    %get3A_10 = vector.load %arg0[%get3A_7, %get3A_8, %get3A_9] : memref<2x10112x128xf32, #tpu.memory_space<vmem>>, vector<1x10112x128xf32>
    %get3A_11 = vector.shape_cast %get3A_10 : vector<1x10112x128xf32> to vector<10112x128xf32>
    %add3A = arith.addf %get3A_6, %get3A_11 : vector<10112x128xf32>
    %get3A_12 = arith.constant 0 : index
    %get3A_13 = arith.constant 0 : index
    %get3A_14 = vector.load %arg1[%get3A_12, %get3A_13] : memref<10112x128xf32, #tpu.memory_space<vmem>>, vector<10112x128xf32>
    %add3A_15 = arith.addf %add3A, %get3A_14 : vector<10112x128xf32>
    %mul3A = arith.mulf %get3A_1, %add3A_15 : vector<10112x128xf32>
    %get3A_16 = arith.constant 0 : index
    %get3A_17 = vector.load %arg3[%get3A_16] : memref<128xf32, #tpu.memory_space<vmem>>, vector<128xf32>
    %broadcast_in_dim3A = vector.shape_cast %get3A_17 : vector<128xf32> to vector<1x128xf32>
    %add3A_18 = vector.broadcast %broadcast_in_dim3A : vector<1x128xf32> to vector<10112x128xf32>
    %add3A_19 = arith.addf %mul3A, %add3A_18 : vector<10112x128xf32>
    %max3A = arith.constant 0.000000e+00 : f32
    %max3A_20 = vector.broadcast %max3A : f32 to vector<10112x128xf32>
    %max3A_21 = arith.maximumf %add3A_19, %max3A_20 : vector<10112x128xf32>
    %reduce_sum3A = arith.constant dense<0.000000e+00> : vector<10112xf32>
    %reduce_sum3A_22 = vector.multi_reduction <add>, %max3A_21, %reduce_sum3A [1] : vector<10112x128xf32> to vector<10112xf32>
    %broadcast_in_dim3A_23 = vector.shape_cast %reduce_sum3A_22 : vector<10112xf32> to vector<10112x1xf32>
    %div3A = arith.constant 1.280000e+02 : f32
    %div3A_24 = vector.broadcast %div3A : f32 to vector<10112x1xf32>
    %div3A_25 = arith.divf %broadcast_in_dim3A_23, %div3A_24 : vector<10112x1xf32>
    %sub3A = vector.broadcast %div3A_25 : vector<10112x1xf32> to vector<10112x128xf32>
    %sub3A_26 = arith.subf %max3A_21, %sub3A : vector<10112x128xf32>
    %integer_pow3A = arith.mulf %sub3A_26, %sub3A_26 : vector<10112x128xf32>
    %reduce_sum3A_27 = arith.constant dense<0.000000e+00> : vector<10112xf32>
    %reduce_sum3A_28 = vector.multi_reduction <add>, %integer_pow3A, %reduce_sum3A_27 [1] : vector<10112x128xf32> to vector<10112xf32>
    %broadcast_in_dim3A_29 = vector.shape_cast %reduce_sum3A_28 : vector<10112xf32> to vector<10112x1xf32>
    %div3A_30 = arith.constant 1.280000e+02 : f32
    %div3A_31 = vector.broadcast %div3A_30 : f32 to vector<10112x1xf32>
    %div3A_32 = arith.divf %broadcast_in_dim3A_29, %div3A_31 : vector<10112x1xf32>
    %sub3A_33 = vector.broadcast %div3A_25 : vector<10112x1xf32> to vector<10112x128xf32>
    %sub3A_34 = arith.subf %max3A_21, %sub3A_33 : vector<10112x128xf32>
    %add3A_35 = arith.constant 9.99999974E-6 : f32
    %add3A_36 = vector.broadcast %add3A_35 : f32 to vector<10112x1xf32>
    %add3A_37 = arith.addf %div3A_32, %add3A_36 : vector<10112x1xf32>
    %sqrt3A = math.sqrt %add3A_37 : vector<10112x1xf32>
    %div3A_38 = vector.broadcast %sqrt3A : vector<10112x1xf32> to vector<10112x128xf32>
    %div3A_39 = arith.divf %sub3A_34, %div3A_38 : vector<10112x128xf32>
    %get3A_40 = arith.constant 0 : index
    %get3A_41 = vector.load %arg4[%get3A_40] : memref<128xf32, #tpu.memory_space<vmem>>, vector<128xf32>
    %broadcast_in_dim3A_42 = vector.shape_cast %get3A_41 : vector<128xf32> to vector<1x128xf32>
    %mul3A_43 = vector.broadcast %broadcast_in_dim3A_42 : vector<1x128xf32> to vector<10112x128xf32>
    %mul3A_44 = arith.mulf %div3A_39, %mul3A_43 : vector<10112x128xf32>
    %get3A_45 = arith.constant 0 : index
    %get3A_46 = vector.load %arg5[%get3A_45] : memref<128xf32, #tpu.memory_space<vmem>>, vector<128xf32>
    %broadcast_in_dim3A_47 = vector.shape_cast %get3A_46 : vector<128xf32> to vector<1x128xf32>
    %add3A_48 = vector.broadcast %broadcast_in_dim3A_47 : vector<1x128xf32> to vector<10112x128xf32>
    %add3A_49 = arith.addf %mul3A_44, %add3A_48 : vector<10112x128xf32>
    %get3A_50 = arith.constant 0 : index
    %get3A_51 = arith.constant 0 : index
    %get3A_52 = vector.load %arg6[%get3A_50, %get3A_51] : memref<128x128xf32, #tpu.memory_space<vmem>>, vector<128x128xf32>
    %dot_general3A = arith.constant dense<0.000000e+00> : vector<10112x128xf32>
    %dot_general3A_53 = tpu.matmul %add3A_49, %get3A_52, %dot_general3A {dimension_numbers = #tpu.dot_dimension_numbers<[1], [0], [0], [1], [0, 0, 1, 1], [], []>, transpose_lhs_hint = false} : vector<10112x128xf32>, vector<128x128xf32>, vector<10112x128xf32> -> vector<10112x128xf32>
    %mul3A_54 = arith.mulf %dot_general3A_53, %get3A_1 : vector<10112x128xf32>
    %swap3A = arith.constant 0 : index
    %swap3A_55 = arith.constant 0 : index
    %swap3A_56 = vector.load %arg7[%swap3A, %swap3A_55] : memref<10112x128xf32, #tpu.memory_space<vmem>>, vector<10112x128xf32>
    tpu.vector_store %arg7[%swap3A, %swap3A_55], %mul3A_54 {strides = array<i32>} : memref<10112x128xf32, #tpu.memory_space<vmem>>, vector<10112x128xf32>,
    return
  }
}

module attributes {stable_mosaic.version = 14 : i64} {
  func.func @_tc_fin_body(%arg0: memref<2x10112x128xf32, #tpu.memory_space<vmem>>, %arg1: memref<10112x128xf32, #tpu.memory_space<vmem>>, %arg2: memref<10112x128xf32, #tpu.memory_space<vmem>>, %arg3: memref<128xf32, #tpu.memory_space<vmem>>, %arg4: memref<128x128xf32, #tpu.memory_space<vmem>>, %arg5: memref<128xf32, #tpu.memory_space<vmem>>, %arg6: memref<128x64xf32, #tpu.memory_space<vmem>>, %arg7: memref<64xf32, #tpu.memory_space<vmem>>, %arg8: memref<10112x64xf32, #tpu.memory_space<vmem>>, %arg9: memref<10112x128xf32, #tpu.memory_space<vmem>>) attributes {dimension_semantics = [], scalar_prefetch = 0 : i64, scratch_operands = 0 : i64, tpu.core_type = #tpu.core_type<tc>} {
    %get3A = arith.constant 0 : index
    %get3A_0 = arith.constant 0 : index
    %get3A_1 = vector.load %arg2[%get3A, %get3A_0] : memref<10112x128xf32, #tpu.memory_space<vmem>>, vector<10112x128xf32>
    %get3A_2 = arith.constant 0 : index
    %get3A_3 = arith.constant 0 : index
    %get3A_4 = arith.constant 0 : index
    %get3A_5 = vector.load %arg0[%get3A_2, %get3A_3, %get3A_4] : memref<2x10112x128xf32, #tpu.memory_space<vmem>>, vector<1x10112x128xf32>
    %get3A_6 = vector.shape_cast %get3A_5 : vector<1x10112x128xf32> to vector<10112x128xf32>
    %get3A_7 = arith.constant 1 : index
    %get3A_8 = arith.constant 0 : index
    %get3A_9 = arith.constant 0 : index
    %get3A_10 = vector.load %arg0[%get3A_7, %get3A_8, %get3A_9] : memref<2x10112x128xf32, #tpu.memory_space<vmem>>, vector<1x10112x128xf32>
    %get3A_11 = vector.shape_cast %get3A_10 : vector<1x10112x128xf32> to vector<10112x128xf32>
    %add3A = arith.addf %get3A_6, %get3A_11 : vector<10112x128xf32>
    %get3A_12 = arith.constant 0 : index
    %get3A_13 = arith.constant 0 : index
    %get3A_14 = vector.load %arg1[%get3A_12, %get3A_13] : memref<10112x128xf32, #tpu.memory_space<vmem>>, vector<10112x128xf32>
    %add3A_15 = arith.addf %add3A, %get3A_14 : vector<10112x128xf32>
    %mul3A = arith.mulf %get3A_1, %add3A_15 : vector<10112x128xf32>
    %get3A_16 = arith.constant 0 : index
    %get3A_17 = vector.load %arg3[%get3A_16] : memref<128xf32, #tpu.memory_space<vmem>>, vector<128xf32>
    %broadcast_in_dim3A = vector.shape_cast %get3A_17 : vector<128xf32> to vector<1x128xf32>
    %add3A_18 = vector.broadcast %broadcast_in_dim3A : vector<1x128xf32> to vector<10112x128xf32>
    %add3A_19 = arith.addf %mul3A, %add3A_18 : vector<10112x128xf32>
    %swap3A = arith.constant 0 : index
    %swap3A_20 = arith.constant 0 : index
    %swap3A_21 = vector.load %arg9[%swap3A, %swap3A_20] : memref<10112x128xf32, #tpu.memory_space<vmem>>, vector<10112x128xf32>
    tpu.vector_store %arg9[%swap3A, %swap3A_20], %add3A_19 {strides = array<i32>} : memref<10112x128xf32, #tpu.memory_space<vmem>>, vector<10112x128xf32>,
    %max3A = arith.constant 0.000000e+00 : f32
    %max3A_22 = vector.broadcast %max3A : f32 to vector<10112x128xf32>
    %max3A_23 = arith.maximumf %add3A_19, %max3A_22 : vector<10112x128xf32>
    %get3A_24 = arith.constant 0 : index
    %get3A_25 = arith.constant 0 : index
    %get3A_26 = vector.load %arg4[%get3A_24, %get3A_25] : memref<128x128xf32, #tpu.memory_space<vmem>>, vector<128x128xf32>
    %dot_general3A = arith.constant dense<0.000000e+00> : vector<10112x128xf32>
    %dot_general3A_27 = tpu.matmul %max3A_23, %get3A_26, %dot_general3A {dimension_numbers = #tpu.dot_dimension_numbers<[1], [0], [0], [1], [0, 0, 1, 1], [], []>, transpose_lhs_hint = false} : vector<10112x128xf32>, vector<128x128xf32>, vector<10112x128xf32> -> vector<10112x128xf32>
    %get3A_28 = arith.constant 0 : index
    %get3A_29 = vector.load %arg5[%get3A_28] : memref<128xf32, #tpu.memory_space<vmem>>, vector<128xf32>
    %broadcast_in_dim3A_30 = vector.shape_cast %get3A_29 : vector<128xf32> to vector<1x128xf32>
    %add3A_31 = vector.broadcast %broadcast_in_dim3A_30 : vector<1x128xf32> to vector<10112x128xf32>
    %add3A_32 = arith.addf %dot_general3A_27, %add3A_31 : vector<10112x128xf32>
    %get3A_33 = arith.constant 0 : index
    %get3A_34 = arith.constant 0 : index
    %get3A_35 = vector.load %arg6[%get3A_33, %get3A_34] : memref<128x64xf32, #tpu.memory_space<vmem>>, vector<128x64xf32>
    %dot_general3A_36 = arith.constant dense<0.000000e+00> : vector<10112x64xf32>
    %dot_general3A_37 = tpu.matmul %add3A_32, %get3A_35, %dot_general3A_36 {dimension_numbers = #tpu.dot_dimension_numbers<[1], [0], [0], [1], [0, 0, 1, 1], [], []>, transpose_lhs_hint = false} : vector<10112x128xf32>, vector<128x64xf32>, vector<10112x64xf32> -> vector<10112x64xf32>
    %get3A_38 = arith.constant 0 : index
    %get3A_39 = vector.load %arg7[%get3A_38] : memref<64xf32, #tpu.memory_space<vmem>>, vector<64xf32>
    %broadcast_in_dim3A_40 = vector.shape_cast %get3A_39 : vector<64xf32> to vector<1x64xf32>
    %add3A_41 = vector.broadcast %broadcast_in_dim3A_40 : vector<1x64xf32> to vector<10112x64xf32>
    %add3A_42 = arith.addf %dot_general3A_37, %add3A_41 : vector<10112x64xf32>
    %logistic3A = arith.negf %add3A_42 : vector<10112x64xf32>
    %logistic3A_43 = math.exp %logistic3A : vector<10112x64xf32>
    %logistic3A_44 = arith.constant 1.000000e+00 : f32
    %logistic3A_45 = vector.broadcast %logistic3A_44 : f32 to vector<10112x64xf32>
    %logistic3A_46 = arith.addf %logistic3A_45, %logistic3A_43 : vector<10112x64xf32>
    %logistic3A_47 = arith.divf %logistic3A_45, %logistic3A_46 : vector<10112x64xf32>
    %swap3A_48 = arith.constant 0 : index
    %swap3A_49 = arith.constant 0 : index
    %swap3A_50 = vector.load %arg8[%swap3A_48, %swap3A_49] : memref<10112x64xf32, #tpu.memory_space<vmem>>, vector<10112x64xf32>
    tpu.vector_store %arg8[%swap3A_48, %swap3A_49], %logistic3A_47 {strides = array<i32>} : memref<10112x64xf32, #tpu.memory_space<vmem>>, vector<10112x64xf32>,
    return
  }
}

</mosaic_0001>

<sc_bundles>
// kernel: kernel.10.cloned.1.call-start
scs
__scs_entry_jumppad:
0x0: {  	(pc) =	sbr.rel $0x88, $3  }
0x1: {  	(tag) =	ssettag $0x0;
	lr =	simm.s32 $0x1  }
0x2: {  	[smem:$0x3F91] =	sst lr;
	_ =	strace $0xD0000000  }
0x3: {  	_ = 	snop  }
0x4: {  	_ = 	snop  }
0x5: {  	_ = 	snop  }
0x6: {  	_ = 	snop  }
0x7: {  	_ = 	snop  }
__scs_overlays_trampoline_lowered:
0x8: {  	[smem:$0x3FA0] =	sst s0  }
0x9: {  	[smem:$0x3FA1] =	sst s1  }
0xa: {  	[smem:$0x3FA2] =	sst s2  }
0xb: {  	[smem:$0x3FA3] =	sst s3  }
0xc: {  	[smem:$0x3FA4] =	sst s4  }
0xd: {  	[smem:$0x3FA5] =	sst s5  }
0xe: {  	[smem:$0x3FA6] =	sst s6  }
0xf: {  	[smem:$0x3FA7] =	sst s7  }
0x10: {  	[smem:$0x3FA8] =	sst s8  }
0x11: {  	[smem:$0x3FA9] =	sst s9;
	s0 =	simm.s32 @!p0 $0x0  }
0x12: {  	s1 =	sld [smem:$0x3F8F];
	s0 =	simm.s32 @p0 $0x1  }
0x13: {  	[smem:$0x3FAA] =	sst s0;
	s0 =	simm.s32 @!p1 $0x0  }
0x14: {  	s2 =	sld [smem:$0x3F8E];
	s0 =	simm.s32 @p1 $0x1  }
0x15: {  	[smem:$0x3FAB] =	sst s0;
	s0 =	simm.s32 @!p2 $0x0  }
0x16: {  	s3 =	sld [smem:$0x3FDB];
	s0 =	simm.s32 @p2 $0x1  }
0x17: {  	s4 =	simm.s32 $0x1BF5;
	[smem:$0x3FAD] =	sst s0  }
0x18: {  	s0 =	sld [smem:$0x3F90];
	_ =	swait.ge [sflag:s4], $0x0  }
0x19: {  	s7 =	sld [smem:$0x3F91]  }
0x1a: {  	s8 =	sadd.s32 $0xFFFFE003, lr  }
0x1b: {  	s9 =	sadd.s32 $0xFFFFFEF7, lr;
	s5 =	simm.s32 $0xFFFFFFFF;
	p2 =	slt.u32 s8, $0xFFFFF086  }
0x1c: {  	p1 =	slt.u32 s9, $0xF7A;
	s5 =	simm.s32 @!p2 $0x0  }
0x1d: {  	s5 =	simm.s32 @p1 $0x1;
	p0 =	seq.s32 s7, s2  }
0x1e: {  	s7 =	smul.u32 @!p0 $0xF7A, s2;
	p2 =	seq.s32 @!p0 s5, $0x0  }
0x1f: {  	s9 =	smul.u32 $0xF7A, s1;
	s8 =	simm.s32 @!p0 $0x1BF5;
	p2 =	por !p2, p0  }
0x20: {  	[sflag:s8] =	ssyncset.s32 @!p0 $0xFFFFF086;
	s6 =	sadd.s32 @!p0 s3, s7;
	s7 =	simm.s32 @!p0 $0x108  }
0x21: {  	s3 =	sadd.s32 s3, s9;
	s6 =	sadd.s32 @!p0 $0x88, s6;
	s7 =	simm.s32 @p2 $0x1082  }
0x22: {  	[simem:s7], [sflag:s8] =	dma.local @!p0 [hbm:s6], $0xF7A  }
0x23: {  	s9 =	sor.u32 $0xD0000000, s2;
	s6 =	simm.s32 $0x108;
	_ =	swait.ge @!p0 [sflag:s8], $0x0  }
0x24: {  	s3 =	sadd.s32 $0x88, s3;
	s6 =	simm.s32 @!p1 $0x1082;
	[sflag:s4] =	ssyncset.s32 $0xFFFFF086  }
0x25: {  	[simem:s6], [sflag:s4] =	dma.local [hbm:s3], $0xF7A  }
0x26: {  	[smem:$0x3F91] =	sst s1;
	(tag) =	ssettag s2;
	_ =	strace s9  }
0x27: {  	s1 =	sld [smem:$0x3FA1]  }
0x28: {  	s2 =	sld [smem:$0x3FA2]  }
0x29: {  	s4 =	sld [smem:$0x3FA4]  }
0x2a: {  	p0 =	seq.s32 s5, $0x0;
	s5 =	sld [smem:$0x3FA5]  }
0x2b: {  	s6 =	sld [smem:$0x3FA6]  }
0x2c: {  	s7 =	sld [smem:$0x3FA7]  }
0x2d: {  	s3 =	simm.s32 $0x108;
	s8 =	sld [smem:$0x3FA8]  }
0x2e: {  	s3 =	simm.s32 @!p0 $0x1082;
	s9 =	sld [smem:$0x3FA9]  }
0x2f: {  	lr =	sadd.s32 s0, s3;
	s0 =	sld [smem:$0x3FA0]  }
0x30: {  	s3 =	sld [smem:$0x3FA3]  }
0x31: {  	[smem:$0x3FAC] =	sst s10  }
0x32: {  	s10 =	sld [smem:$0x3FAA];
	_ =	sdelay $0x3  }
0x33: {  	p0 =	seq.s32 s10, $0x1;
	s10 =	sld [smem:$0x3FAC];
	_ =	sdelay $0x3  }
0x34: {  	[smem:$0x3FAC] =	sst s10  }
0x35: {  	s10 =	sld [smem:$0x3FAB];
	_ =	sdelay $0x3  }
0x36: {  	p1 =	seq.s32 s10, $0x1;
	s10 =	sld [smem:$0x3FAC];
	_ =	sdelay $0x3  }
0x37: {  	[smem:$0x3FAC] =	sst s10  }
0x38: {  	s10 =	sld [smem:$0x3FAD]  }
0x39: {  	_ = 	snop;
	(pc) =	sbr.ind lr, $3  }
0x3a: {  	_ = 	snop  }
0x3b: {  	_ = 	snop  }
0x3c: {  	p2 =	seq.s32 s10, $0x1;
	s10 =	sld [smem:$0x3FAC]  }
0x3d: {  	_ =	shalt  }
0x3e: {  	_ =	shalt  }
0x3f: {  	_ =	shalt  }
0x40: {  	_ =	shalt  }
0x41: {  	_ =	shalt  }
0x42: {  	_ =	shalt  }
0x43: {  	_ =	shalt  }
0x44: {  	_ =	shalt  }
0x45: {  	_ =	shalt  }
0x46: {  	_ =	shalt  }
0x47: {  	_ =	shalt  }
0x48: {  	_ =	shalt  }
0x49: {  	_ =	shalt  }
0x4a: {  	_ =	shalt  }
0x4b: {  	_ =	shalt  }
0x4c: {  	_ =	shalt  }
0x4d: {  	_ =	shalt  }
0x4e: {  	_ =	shalt  }
0x4f: {  	_ =	shalt  }
0x50: {  	_ =	shalt  }
0x51: {  	_ =	shalt  }
0x52: {  	_ =	shalt  }
0x53: {  	_ =	shalt  }
0x54: {  	_ =	shalt  }
0x55: {  	_ =	shalt  }
0x56: {  	_ =	shalt  }
0x57: {  	_ =	shalt  }
0x58: {  	_ =	shalt  }
0x59: {  	_ =	shalt  }
0x5a: {  	_ =	shalt  }
0x5b: {  	_ =	shalt  }
0x5c: {  	_ =	shalt  }
0x5d: {  	_ =	shalt  }
0x5e: {  	_ =	shalt  }
0x5f: {  	_ =	shalt  }
0x60: {  	_ =	shalt  }
0x61: {  	_ =	shalt  }
0x62: {  	_ =	shalt  }
0x63: {  	_ =	shalt  }
0x64: {  	_ =	shalt  }
0x65: {  	_ =	shalt  }
0x66: {  	_ =	shalt  }
0x67: {  	_ =	shalt  }
0x68: {  	_ =	shalt  }
0x69: {  	_ =	shalt  }
0x6a: {  	_ =	shalt  }
0x6b: {  	_ =	shalt  }
0x6c: {  	_ =	shalt  }
0x6d: {  	_ =	shalt  }
0x6e: {  	_ =	shalt  }
0x6f: {  	_ =	shalt  }
0x70: {  	_ =	shalt  }
0x71: {  	_ =	shalt  }
0x72: {  	_ =	shalt  }
0x73: {  	_ =	shalt  }
0x74: {  	_ =	shalt  }
0x75: {  	_ =	shalt  }
0x76: {  	_ =	shalt  }
0x77: {  	_ =	shalt  }
0x78: {  	_ =	shalt  }
0x79: {  	_ =	shalt  }
0x7a: {  	_ =	shalt  }
0x7b: {  	_ =	shalt  }
0x7c: {  	_ =	shalt  }
0x7d: {  	_ =	shalt  }
0x7e: {  	_ =	shalt  }
0x7f: {  	_ =	shalt  }
0x80: {  	_ =	shalt  }
0x81: {  	_ =	shalt  }
0x82: {  	_ =	shalt  }
0x83: {  	_ =	shalt  }
0x84: {  	_ =	shalt  }
0x85: {  	_ =	shalt  }
0x86: {  	_ =	shalt  }
0x87: {  	_ =	shalt  }
.Lfunc_end0:
.L_simem_size_0:
called_computation_lowered:
.L_overlay_start_0:
0x88: {  	s2 =	sld [smem:$0x3FD9]  }
0x89: {  	s3 =	sld [smem:$0x3FFE];
	_ =	sdelay $0x1  }
0x8a: {  	s1 =	srdreg.scid  }
0x8b: {  	s0 =	sand.u32 $0x1, s1  }
0x8c: {  	s14 =	sshll.u32 s0, $0xA;
	s2 =	sadd.s32 s3, s2  }
0x8d: {  	s2 =	sadd.s32 s2, s14  }
0x8e: {  	[smem:$0x3FB8] =	sst s2  }
0x8f: {  	_ = 	snop  }
0x90: {  	s2 =	sld [smem:$0x3FD0];
	_ =	sdelay $0x2  }
0x91: {  	s15 =	simm.s32 $0xA;
	s4 =	simm.s32 $0x10  }
0x92: {  	[smem:s4], [sflag:s15] =	dma.local [hbm:s2], $0x1  }
0x93: {  	_ =	swait.eq [sflag:s15], $0x1  }
0x94: {  	[sflag:s15] =	ssyncset.done $0x0  }
0x95: {  	[sflag:s15] =	ssyncadd.s32 $0xFFFFFFFF  }
0x96: {  	s16 =	sld [smem:$0x10];
	(tm) =	ssettm $0x1  }
0x97: {  	s17 =	sld [smem:$0x3FFB];
	_ =	sdelay $0x3  }
0x98: {  	_ =	strace s17  }
0x99: {  	s3 =	sld [smem:$0x3FFC];
	_ =	sdelay $0x3  }
0x9a: {  	_ =	strace s3  }
0x9b: {  	s3 =	sld [smem:$0x3FFD];
	_ =	sdelay $0x3  }
0x9c: {  	_ =	strace s3  }
0x9d: {  	_ =	strace $0x8FFFFFFF  }
0x9e: {  	s18 =	sld [smem:$0x3FDB];
	_ =	sdelay $0x1  }
0x9f: {  	s19 =	simm.s32 $_scs_section_size  }
0xa0: {  	s5 =	simm.s32 $_size__tile_overlayer_lowered;
	s6 =	simm.s32 $_tile_overlayer_lowered  }
0xa1: {  	s22 =	simm.s32 $0x1BFF;
	s21 =	sshll.u32 s6, $0x1;
	s3 =	sadd.s32 s19, s18  }
0xa2: {  	s7 =	simm.s32 $0x0;
	s20 =	sshll.u32 s5, $0x1;
	s5 =	sadd.s32 s21, s3  }
0xa3: {  	[timem:s7], [sflag:s22] =	dma.local [hbm:s5], s20  }
0xa4: {  	_ =	swait.ge [sflag:s22], s20  }
0xa5: {  	s4 =	ssub.s32 $0x0, s20;
	[sflag:s22] =	ssyncset.done $0x0  }
0xa6: {  	[sflag:s22] =	ssyncadd.s32 s4;
	_ =	sdelay $0x1  }
0xa7: {  	s23 =	simm.s32 $0x1B8B  }
0xa8: {  	_ =	swait.ge [sflag:s23], $0x1  }
0xa9: {  	[sflag:s23] =	ssyncset.done $0x0  }
0xaa: {  	s25 =	simm.s32 $0x1B8E;
	s24 =	sld [smem:$0x3FFE];
	[sflag:s23] =	ssyncadd.s32 $0xFFFFFFFF  }
0xab: {  	s26 =	simm.s32 $execute0_lowered;
	[smem:$0x3FD2] =	sst s25  }
0xac: {  	s5 =	sshll.u32 s26, $0x1;
	_ =	strace $0x80000046;
	[dreg:$0x1] =	wrdreg $0xFFFFFFFF  }
0xad: {  	s28 =	simm.s32 $_size_execute0_lowered;
	s3 =	sadd.s32 s3, s5;
	[dreg:$0x0] =	wrdreg $0x0  }
0xae: {  	s5 =	sshll.u32 s28, $0x1;
	[dreg:$0x2] =	wrdreg s3  }
0xaf: {  	[dreg:$0x3] =	wrdreg s5  }
0xb0: {  	[dreg:$0x4] =	wrdreg $0xC0  }
0xb1: {  	_ =	task [dreg:s7], $0x5FFFF  }
0xb2: {  	[dreg:$0x1] =	wrdreg $0xFFFFFFFF  }
0xb3: {  	[dreg:$0x0] =	wrdreg $0x60  }
0xb4: {  	[dreg:$0x2] =	wrdreg s16  }
0xb5: {  	[dreg:$0x3] =	wrdreg s24  }
0xb6: {  	[dreg:$0x4] =	wrdreg $0x68000  }
0xb7: {  	[dreg:$0x5] =	wrdreg $0x9  }
0xb8: {  	_ =	task.clear_ibuf [dreg:s7], $0x6FFFF;
	_ =	strace $0x90000046  }
0xb9: {  	s29 =	simm.s32 $0x9;
	_ =	strace $0x80000048  }
0xba: {  	_ =	swait.ge [sflag:s29], $0x1  }
0xbb: {  	[sflag:s29] =	ssyncadd.s32 $0xFFFFFFFF  }
0xbc: {  	_ =	strace $0x90000048  }
0xbd: {  	_ =	sfence  }
0xbe: {  	s30 =	sld [smem:$0x0];
	_ =	sdelay $0x2  }
0xbf: {  	s31 =	sshll.u32 s1, $0xD;
	s1 =	sshrl.u32 s1, $0x2  }
0xc0: {  	s3 =	sand.u32 $0x4000, s31;
	s1 =	sadd.s32 s1, s30  }
0xc1: {  	s0 =	sor.u32 s3, s0;
	s1 =	sshll.u32 s1, $0x11  }
0xc2: {  	s0 =	sor.u32 s1, s0  }
0xc3: {  	s0 =	sadd.s32 $0x8F2B, s0  }
0xc4: {  	[sflag:s0] =	ssyncadd.remote.s32 $0x1  }
0xc5: {  	_ =	sfence.sel $0xFFFF  }
0xc6: {  	[dreg:$0x0] =	wrdreg $0xFFFFFFFF;
	(pc) =	sbr.abs _section_cstart, $3  }
0xc7: {  	[dreg:$0x1] =	wrdreg $0xFFFFFFFF  }
0xc8: {  	_ =	task.clear_ibuf [dreg:s7], $0x2FFFF;
	_ =	strace $0x9FFFFFFF  }
0xc9: {  	(tm) =	ssettm $0x7FFFFFFF  }
tec
execute0_lowered:
.L_overlay_start_1:
0x0: {  	(tag) =	ssettag $0x1  }
0x1: {  	s4 =	rddreg [dreg:$0x0]  }
0x2: {  	s5 =	rddreg [dreg:$0x1]  }
0x3: {  	s2 =	rddreg [dreg:$0x2]  }
0x4: {  	s0 =	rddreg [dreg:$0x3]  }
0x5: {  	s1 =	stileid.u32;
	s6 =	srdreg.scid;
	s3 =	simm.s32 $0x0  }
0x6: {  	s12 =	simm.s32 $0x2800;
	s13 =	simm.s32 $0x0;
	s7 =	smul.u32 $0x13C00, s1  }
0x7: {  	s6 =	sand.u32 $0x1, s6;
	[smem:$0x7FF] =	sst s3;
	s10 =	smul.u32 $0x4F000, s1  }
0x8: {  	s31 =	sshll.u32 s1, $0x6;
	s8 =	smul.u32 $0x13C000, s6;
	_ =	strace $0x80000047  }
0x9: {  	s29 =	sshll.u32 s6, $0x4;
	s6 =	ssub.s32 $0x2, s6;
	s9 =	sshrl.u32 s7, $0x3  }
0xa: {  	s11 =	sshrl.u32 s6, $0x1;
	s30 =	sshrl.u32 s10, $0x2;
	s9 =	sadd.s32 s9, s5  }
0xb: {  	s7 =	sadd.s32 s7, s8;
	s8 =	sor.u32 s1, s29;
	s11 =	ssub.s32 s6, s11  }
0xc: {  	s10 =	sadd.s32 s30, s2;
	s7 =	sshrl.u32 s7, $0x3;
	s8 =	smul.u32 $0x500, s8  }
0xd: {  	s10 =	sshrl.u32 s10, $0x3;
	s7 =	sadd.s32 s7, s5;
	s5 =	sadd.s32 $0x3600, s9  }
0xe: {  	s9 =	sor.u32 $0x1C01, s31;
	s4 =	sadd.s32 s4, s8;
	s6 =	sadd.s32 $0x2AE00, s7  }
0xf: {  	v0 =	vimm.f32 $1.000000000e+00;
	s7 =	smax.u32 s11, $0x1;
	s8 =	simm.s32 $0x1;
	s11 =	simm.s32 $0x80  }
.LBB2_1:
0x10: {  	[tilespmem:s3], [sflag:$0x1] =	stream.linear.gather [hbm4b:s4+s3], $0x2800, $0x38;
	[tilespmem:$0x8F80] =	vst v63  }
0x11: {  	_ =	swait.ge [sflag:s8], $0x2800  }
0x12: {  	[sflag:s8] =	ssyncset.done $0x0  }
0x13: {  	s14 =	simm.s32 $0x200;
	s15 =	simm.s32 $0x0;
	[sflag:s8] =	ssyncadd.s32 $0xFFFFD800  }
.LBB2_2:
0x14: {  	p0 =	sne.s32 s14, $0xFE00;
	[tilespmem:s15+$0x2800] =	vst v0;
	s15 =	smov.u32 s14;
	s14 =	sadd.s32 $0x200, s14  }
.Ltmp0:
0x15: {  	(pc) =	sbr.rel @p0 .LBB2_2-.Ltmp0, $2  }
0x16: {  	_ =	sdelay $0x2  }
0x17: {  	s15 =	sshra.s32 s15, $0x2  }
0x18: {  	[tilespmem:s15+$0x2800] =	vst v0  }
0x19: {  	[spmem:s10], [sflag:s9] =	dma.local [hbm:s5], $0x2780  }
0x1a: {  	_ =	swait.ge [sflag:s8], $0x2780  }
0x1b: {  	[sflag:s8] =	ssyncset.done $0x0  }
0x1c: {  	[sflag:s8] =	ssyncadd.s32 $0xFFFFD880  }
0x1d: {  	s14 =	simm.s32 $0x0;
	[bflag:$0x0] =	sbarrier.arrive $0xFFFF  }
0x1e: {  	[spmem:s2] =	stream.indirect.scatter.add.f32 [tilespmem:s12], [sflag:$0x1], $0x10, s14, s11, $0xb8;
	[tilespmem:$0x8F80] =	vst v63  }
0x1f: {  	_ =	swait.ge [sflag:s8], $0x800  }
0x20: {  	s14 =	simm.s32 $0x200;
	[sflag:s8] =	ssyncset.done $0x0  }
.LBB2_4:
0x21: {  	s15 =	sshra.s32 s14, $0x2;
	[sflag:s8] =	ssyncadd.s32 $0xFFFFF800;
	p0 =	sne.s32 s14, $0x9E00  }
0x22: {  	[spmem:s2] =	stream.indirect.scatter.add.f32 [tilespmem:s12], [sflag:$0x1], $0x10, s15, s11, $0xb8;
	[tilespmem:$0x8F80] =	vst v63  }
.Ltmp1:
0x23: {  	_ = 	snop;
	(pc) =	sbr.rel @p0 .LBB2_4-.Ltmp1, $4  }
0x24: {  	_ = 	snop  }
0x25: {  	s14 =	sadd.s32 $0x200, s14  }
0x26: {  	_ =	swait.ge [sflag:s8], $0x800  }
0x27: {  	[sflag:s8] =	ssyncset.done $0x0  }
0x28: {  	s13 =	sadd.s32 $0x1, s13  }
0x29: {  	[sflag:s8] =	ssyncadd.s32 $0xFFFFF800;
	p0 =	sne.s32 s13, s7  }
.Ltmp2:
0x2a: {  	[bflag:$0x0] =	sbarrier.arrive $0xFFFF;
	(pc) =	sbr.rel @p0 .LBB2_1-.Ltmp2, $4  }
0x2b: {  	[hbm:s6], [sflag:s9] =	dma.local [spmem:s10], $0x2780  }
0x2c: {  	_ =	swait.ge [sflag:s8], $0x2780  }
0x2d: {  	[sflag:s8] =	ssyncset.done $0x0  }
0x2e: {  	[sflag:s8] =	ssyncadd.s32 $0xFFFFD880  }
0x2f: {  	_ =	sfence.sel $0x180000  }
0x30: {  	[bflag:$0x0] =	sbarrier.arrive $0xFFFF  }
0x31: {  	p0 =	sne.s32 s1, $0x0;
	_ =	strace $0x90000047  }
0x32: {  	s0 =	sadd.s32 @!p0 $0x100000, s0;
	[bflag:$0x2] =	sbarrier.arrive $0xFFFF  }
0x33: {  	[sflag:s0] =	ssyncadd.tile.s32 @!p0 $0x1;
	_ =	shalt  }
.Lfunc_end2:
_tile_overlayer_lowered:
.L_overlay_start_2:
0x34: {  	(tag) =	ssettag $0x2  }
0x35: {  	s0 =	rddreg [dreg:$0x0];
	s2 =	stileid.u32  }
0x36: {  	s1 =	rddreg [dreg:$0x1];
	p0 =	sne.s32 s2, $0x0  }
0x37: {  	s3 =	rddreg [dreg:$0x2];
	[bflag:$0x3] =	sbarrier.arrive $0xFFFF;
	s2 =	simm.s32 @!p0 $0x1C01  }
0x38: {  	[timem:s3], [sflag:s2] =	dma.local @!p0 [hbm:s0], s1  }
0x39: {  	s0 =	simm.s32 @!p0 $0x1  }
0x3a: {  	_ =	swait.ge @!p0 [sflag:s0], s1  }
0x3b: {  	s1 =	ssub.s32 @!p0 $0x0, s1;
	[sflag:s0] =	ssyncset.done @!p0 $0x0  }
0x3c: {  	[sflag:s0] =	ssyncadd.s32 @!p0 s1  }
0x3d: {  	[bflag:$0x3] =	sbarrier.arrive $0xFFFF  }
0x3e: {  	_ =	shalt  }

// kernel: kernel.13.cloned.1.call-start
scs
__scs_entry_jumppad:
0x0: {  	(pc) =	sbr.rel $0x88, $3  }
0x1: {  	(tag) =	ssettag $0x0;
	lr =	simm.s32 $0x1  }
0x2: {  	[smem:$0x3F91] =	sst lr;
	_ =	strace $0xD0000000  }
0x3: {  	_ = 	snop  }
0x4: {  	_ = 	snop  }
0x5: {  	_ = 	snop  }
0x6: {  	_ = 	snop  }
0x7: {  	_ = 	snop  }
__scs_overlays_trampoline_lowered:
0x8: {  	[smem:$0x3FA0] =	sst s0  }
0x9: {  	[smem:$0x3FA1] =	sst s1  }
0xa: {  	[smem:$0x3FA2] =	sst s2  }
0xb: {  	[smem:$0x3FA3] =	sst s3  }
0xc: {  	[smem:$0x3FA4] =	sst s4  }
0xd: {  	[smem:$0x3FA5] =	sst s5  }
0xe: {  	[smem:$0x3FA6] =	sst s6  }
0xf: {  	[smem:$0x3FA7] =	sst s7  }
0x10: {  	[smem:$0x3FA8] =	sst s8  }
0x11: {  	[smem:$0x3FA9] =	sst s9;
	s0 =	simm.s32 @!p0 $0x0  }
0x12: {  	s1 =	sld [smem:$0x3F8F];
	s0 =	simm.s32 @p0 $0x1  }
0x13: {  	[smem:$0x3FAA] =	sst s0;
	s0 =	simm.s32 @!p1 $0x0  }
0x14: {  	s2 =	sld [smem:$0x3F8E];
	s0 =	simm.s32 @p1 $0x1  }
0x15: {  	[smem:$0x3FAB] =	sst s0;
	s0 =	simm.s32 @!p2 $0x0  }
0x16: {  	s3 =	sld [smem:$0x3FDB];
	s0 =	simm.s32 @p2 $0x1  }
0x17: {  	s4 =	simm.s32 $0x1BF5;
	[smem:$0x3FAD] =	sst s0  }
0x18: {  	s0 =	sld [smem:$0x3F90];
	_ =	swait.ge [sflag:s4], $0x0  }
0x19: {  	s7 =	sld [smem:$0x3F91]  }
0x1a: {  	s8 =	sadd.s32 $0xFFFFE003, lr  }
0x1b: {  	s9 =	sadd.s32 $0xFFFFFEF7, lr;
	s5 =	simm.s32 $0xFFFFFFFF;
	p2 =	slt.u32 s8, $0xFFFFF086  }
0x1c: {  	p1 =	slt.u32 s9, $0xF7A;
	s5 =	simm.s32 @!p2 $0x0  }
0x1d: {  	s5 =	simm.s32 @p1 $0x1;
	p0 =	seq.s32 s7, s2  }
0x1e: {  	s7 =	smul.u32 @!p0 $0xF7A, s2;
	p2 =	seq.s32 @!p0 s5, $0x0  }
0x1f: {  	s9 =	smul.u32 $0xF7A, s1;
	s8 =	simm.s32 @!p0 $0x1BF5;
	p2 =	por !p2, p0  }
0x20: {  	[sflag:s8] =	ssyncset.s32 @!p0 $0xFFFFF086;
	s6 =	sadd.s32 @!p0 s3, s7;
	s7 =	simm.s32 @!p0 $0x108  }
0x21: {  	s3 =	sadd.s32 s3, s9;
	s6 =	sadd.s32 @!p0 $0x88, s6;
	s7 =	simm.s32 @p2 $0x1082  }
0x22: {  	[simem:s7], [sflag:s8] =	dma.local @!p0 [hbm:s6], $0xF7A  }
0x23: {  	s9 =	sor.u32 $0xD0000000, s2;
	s6 =	simm.s32 $0x108;
	_ =	swait.ge @!p0 [sflag:s8], $0x0  }
0x24: {  	s3 =	sadd.s32 $0x88, s3;
	s6 =	simm.s32 @!p1 $0x1082;
	[sflag:s4] =	ssyncset.s32 $0xFFFFF086  }
0x25: {  	[simem:s6], [sflag:s4] =	dma.local [hbm:s3], $0xF7A  }
0x26: {  	[smem:$0x3F91] =	sst s1;
	(tag) =	ssettag s2;
	_ =	strace s9  }
0x27: {  	s1 =	sld [smem:$0x3FA1]  }
0x28: {  	s2 =	sld [smem:$0x3FA2]  }
0x29: {  	s4 =	sld [smem:$0x3FA4]  }
0x2a: {  	p0 =	seq.s32 s5, $0x0;
	s5 =	sld [smem:$0x3FA5]  }
0x2b: {  	s6 =	sld [smem:$0x3FA6]  }
0x2c: {  	s7 =	sld [smem:$0x3FA7]  }
0x2d: {  	s3 =	simm.s32 $0x108;
	s8 =	sld [smem:$0x3FA8]  }
0x2e: {  	s3 =	simm.s32 @!p0 $0x1082;
	s9 =	sld [smem:$0x3FA9]  }
0x2f: {  	lr =	sadd.s32 s0, s3;
	s0 =	sld [smem:$0x3FA0]  }
0x30: {  	s3 =	sld [smem:$0x3FA3]  }
0x31: {  	[smem:$0x3FAC] =	sst s10  }
0x32: {  	s10 =	sld [smem:$0x3FAA];
	_ =	sdelay $0x3  }
0x33: {  	p0 =	seq.s32 s10, $0x1;
	s10 =	sld [smem:$0x3FAC];
	_ =	sdelay $0x3  }
0x34: {  	[smem:$0x3FAC] =	sst s10  }
0x35: {  	s10 =	sld [smem:$0x3FAB];
	_ =	sdelay $0x3  }
0x36: {  	p1 =	seq.s32 s10, $0x1;
	s10 =	sld [smem:$0x3FAC];
	_ =	sdelay $0x3  }
0x37: {  	[smem:$0x3FAC] =	sst s10  }
0x38: {  	s10 =	sld [smem:$0x3FAD]  }
0x39: {  	_ = 	snop;
	(pc) =	sbr.ind lr, $3  }
0x3a: {  	_ = 	snop  }
0x3b: {  	_ = 	snop  }
0x3c: {  	p2 =	seq.s32 s10, $0x1;
	s10 =	sld [smem:$0x3FAC]  }
0x3d: {  	_ =	shalt  }
0x3e: {  	_ =	shalt  }
0x3f: {  	_ =	shalt  }
0x40: {  	_ =	shalt  }
0x41: {  	_ =	shalt  }
0x42: {  	_ =	shalt  }
0x43: {  	_ =	shalt  }
0x44: {  	_ =	shalt  }
0x45: {  	_ =	shalt  }
0x46: {  	_ =	shalt  }
0x47: {  	_ =	shalt  }
0x48: {  	_ =	shalt  }
0x49: {  	_ =	shalt  }
0x4a: {  	_ =	shalt  }
0x4b: {  	_ =	shalt  }
0x4c: {  	_ =	shalt  }
0x4d: {  	_ =	shalt  }
0x4e: {  	_ =	shalt  }
0x4f: {  	_ =	shalt  }
0x50: {  	_ =	shalt  }
0x51: {  	_ =	shalt  }
0x52: {  	_ =	shalt  }
0x53: {  	_ =	shalt  }
0x54: {  	_ =	shalt  }
0x55: {  	_ =	shalt  }
0x56: {  	_ =	shalt  }
0x57: {  	_ =	shalt  }
0x58: {  	_ =	shalt  }
0x59: {  	_ =	shalt  }
0x5a: {  	_ =	shalt  }
0x5b: {  	_ =	shalt  }
0x5c: {  	_ =	shalt  }
0x5d: {  	_ =	shalt  }
0x5e: {  	_ =	shalt  }
0x5f: {  	_ =	shalt  }
0x60: {  	_ =	shalt  }
0x61: {  	_ =	shalt  }
0x62: {  	_ =	shalt  }
0x63: {  	_ =	shalt  }
0x64: {  	_ =	shalt  }
0x65: {  	_ =	shalt  }
0x66: {  	_ =	shalt  }
0x67: {  	_ =	shalt  }
0x68: {  	_ =	shalt  }
0x69: {  	_ =	shalt  }
0x6a: {  	_ =	shalt  }
0x6b: {  	_ =	shalt  }
0x6c: {  	_ =	shalt  }
0x6d: {  	_ =	shalt  }
0x6e: {  	_ =	shalt  }
0x6f: {  	_ =	shalt  }
0x70: {  	_ =	shalt  }
0x71: {  	_ =	shalt  }
0x72: {  	_ =	shalt  }
0x73: {  	_ =	shalt  }
0x74: {  	_ =	shalt  }
0x75: {  	_ =	shalt  }
0x76: {  	_ =	shalt  }
0x77: {  	_ =	shalt  }
0x78: {  	_ =	shalt  }
0x79: {  	_ =	shalt  }
0x7a: {  	_ =	shalt  }
0x7b: {  	_ =	shalt  }
0x7c: {  	_ =	shalt  }
0x7d: {  	_ =	shalt  }
0x7e: {  	_ =	shalt  }
0x7f: {  	_ =	shalt  }
0x80: {  	_ =	shalt  }
0x81: {  	_ =	shalt  }
0x82: {  	_ =	shalt  }
0x83: {  	_ =	shalt  }
0x84: {  	_ =	shalt  }
0x85: {  	_ =	shalt  }
0x86: {  	_ =	shalt  }
0x87: {  	_ =	shalt  }
.Lfunc_end0:
.L_simem_size_0:
called_computation.1_lowered:
.L_overlay_start_0:
0x88: {  	s2 =	sld [smem:$0x3FD9]  }
0x89: {  	s3 =	sld [smem:$0x3FFE];
	_ =	sdelay $0x1  }
0x8a: {  	s1 =	srdreg.scid  }
0x8b: {  	s0 =	sand.u32 $0x1, s1  }
0x8c: {  	s14 =	sshll.u32 s0, $0xA;
	s2 =	sadd.s32 s3, s2  }
0x8d: {  	s2 =	sadd.s32 s2, s14  }
0x8e: {  	[smem:$0x3FB8] =	sst s2  }
0x8f: {  	_ = 	snop  }
0x90: {  	s2 =	sld [smem:$0x3FD0];
	_ =	sdelay $0x2  }
0x91: {  	s15 =	simm.s32 $0xA;
	s4 =	simm.s32 $0x10  }
0x92: {  	[smem:s4], [sflag:s15] =	dma.local [hbm:s2], $0x1  }
0x93: {  	_ =	swait.eq [sflag:s15], $0x1  }
0x94: {  	[sflag:s15] =	ssyncset.done $0x0  }
0x95: {  	[sflag:s15] =	ssyncadd.s32 $0xFFFFFFFF  }
0x96: {  	s16 =	sld [smem:$0x11];
	(tm) =	ssettm $0x1  }
0x97: {  	s17 =	sld [smem:$0x3FFB];
	_ =	sdelay $0x3  }
0x98: {  	_ =	strace s17  }
0x99: {  	s3 =	sld [smem:$0x3FFC];
	_ =	sdelay $0x3  }
0x9a: {  	_ =	strace s3  }
0x9b: {  	s3 =	sld [smem:$0x3FFD];
	_ =	sdelay $0x3  }
0x9c: {  	_ =	strace s3  }
0x9d: {  	_ =	strace $0x8FFFFFFF  }
0x9e: {  	s18 =	sld [smem:$0x3FDB];
	_ =	sdelay $0x1  }
0x9f: {  	s19 =	simm.s32 $_scs_section_size  }
0xa0: {  	s5 =	simm.s32 $_size__tile_overlayer_lowered;
	s6 =	simm.s32 $_tile_overlayer_lowered  }
0xa1: {  	s22 =	simm.s32 $0x1BFF;
	s21 =	sshll.u32 s6, $0x1;
	s3 =	sadd.s32 s19, s18  }
0xa2: {  	s7 =	simm.s32 $0x0;
	s20 =	sshll.u32 s5, $0x1;
	s5 =	sadd.s32 s21, s3  }
0xa3: {  	[timem:s7], [sflag:s22] =	dma.local [hbm:s5], s20  }
0xa4: {  	_ =	swait.ge [sflag:s22], s20  }
0xa5: {  	s4 =	ssub.s32 $0x0, s20;
	[sflag:s22] =	ssyncset.done $0x0  }
0xa6: {  	[sflag:s22] =	ssyncadd.s32 s4;
	_ =	sdelay $0x1  }
0xa7: {  	s23 =	simm.s32 $0x1B8B  }
0xa8: {  	_ =	swait.ge [sflag:s23], $0x1  }
0xa9: {  	[sflag:s23] =	ssyncset.done $0x0  }
0xaa: {  	s25 =	simm.s32 $0x1B8E;
	s24 =	sld [smem:$0x3FFE];
	[sflag:s23] =	ssyncadd.s32 $0xFFFFFFFF  }
0xab: {  	s26 =	simm.s32 $execute0_lowered;
	[smem:$0x3FD2] =	sst s25  }
0xac: {  	s5 =	sshll.u32 s26, $0x1;
	_ =	strace $0x80000049;
	[dreg:$0x1] =	wrdreg $0xFFFFFFFF  }
0xad: {  	s28 =	simm.s32 $_size_execute0_lowered;
	s3 =	sadd.s32 s3, s5;
	[dreg:$0x0] =	wrdreg $0x0  }
0xae: {  	s5 =	sshll.u32 s28, $0x1;
	[dreg:$0x2] =	wrdreg s3  }
0xaf: {  	[dreg:$0x3] =	wrdreg s5  }
0xb0: {  	[dreg:$0x4] =	wrdreg $0xC0  }
0xb1: {  	_ =	task [dreg:s7], $0x5FFFF  }
0xb2: {  	[dreg:$0x1] =	wrdreg $0xFFFFFFFF  }
0xb3: {  	[dreg:$0x0] =	wrdreg $0x60  }
0xb4: {  	[dreg:$0x2] =	wrdreg s24  }
0xb5: {  	[dreg:$0x3] =	wrdreg s16  }
0xb6: {  	[dreg:$0x4] =	wrdreg $0xB8000  }
0xb7: {  	[dreg:$0x5] =	wrdreg $0x9  }
0xb8: {  	_ =	task.clear_ibuf [dreg:s7], $0x6FFFF;
	_ =	strace $0x90000049  }
0xb9: {  	s29 =	simm.s32 $0x9;
	_ =	strace $0x8000004B  }
0xba: {  	_ =	swait.ge [sflag:s29], $0x1  }
0xbb: {  	[sflag:s29] =	ssyncadd.s32 $0xFFFFFFFF  }
0xbc: {  	_ =	strace $0x9000004B  }
0xbd: {  	_ =	sfence  }
0xbe: {  	s30 =	sld [smem:$0x0];
	_ =	sdelay $0x2  }
0xbf: {  	s31 =	sshll.u32 s1, $0xD;
	s1 =	sshrl.u32 s1, $0x2  }
0xc0: {  	s3 =	sand.u32 $0x4000, s31;
	s1 =	sadd.s32 s1, s30  }
0xc1: {  	s0 =	sor.u32 s3, s0;
	s1 =	sshll.u32 s1, $0x11  }
0xc2: {  	s0 =	sor.u32 s1, s0  }
0xc3: {  	s0 =	sadd.s32 $0x8F2B, s0  }
0xc4: {  	[sflag:s0] =	ssyncadd.remote.s32 $0x1  }
0xc5: {  	_ =	sfence.sel $0xFFFF  }
0xc6: {  	[dreg:$0x0] =	wrdreg $0xFFFFFFFF;
	(pc) =	sbr.abs _section_cstart, $3  }
0xc7: {  	[dreg:$0x1] =	wrdreg $0xFFFFFFFF  }
0xc8: {  	_ =	task.clear_ibuf [dreg:s7], $0x2FFFF;
	_ =	strace $0x9FFFFFFF  }
0xc9: {  	(tm) =	ssettm $0x7FFFFFFF  }
tec
execute0_lowered:
.L_overlay_start_1:
0x0: {  	(tag) =	ssettag $0x1  }
0x1: {  	s5 =	rddreg [dreg:$0x0]  }
0x2: {  	s7 =	rddreg [dreg:$0x1]  }
0x3: {  	s2 =	rddreg [dreg:$0x2]  }
0x4: {  	s1 =	stileid.u32;
	s0 =	rddreg [dreg:$0x3]  }
0x5: {  	s4 =	srdreg.scid;
	s3 =	simm.s32 $0x0;
	s8 =	smul.u32 $0x780, s1  }
0x6: {  	s16 =	simm.s32 $0x7800;
	s17 =	simm.s32 $0x1;
	s6 =	smul.u32 $0x300, s1  }
0x7: {  	s9 =	smul.u32 $0x13C00, s1;
	s12 =	sand.u32 $0x1, s4;
	[smem:$0x7FF] =	sst s3  }
0x8: {  	s4 =	sadd.s32 $0x3600, s5;
	s30 =	smul.u32 $0x4F000, s1;
	s31 =	sshll.u32 s1, $0x6  }
0x9: {  	s10 =	smul.u32 $0x13C000, s12;
	_ =	strace $0x8000004A;
	s28 =	ssub.s32 $0x2, s12  }
0xa: {  	p0 =	sne.s32 s12, $0x0;
	s12 =	sor.u32 $0x1C02, s31;
	s11 =	sadd.s32 s8, s5  }
0xb: {  	s6 =	sadd.s32 s6, s5;
	s13 =	sshrl.u32 s9, $0x3;
	s29 =	sshrl.u32 s28, $0x1  }
0xc: {  	s7 =	sadd.s32 s7, s8;
	s9 =	sadd.s32 s9, s10;
	s26 =	sadd.s32 s13, s5  }
.Ltmp0:
0xd: {  	s13 =	ssub.s32 s28, s29;
	s9 =	sshrl.u32 s9, $0x3;
	(pc) =	sbr.rel .LBB2_1-.Ltmp0, $4  }
0xe: {  	s8 =	sadd.s32 $0x7FE00, s11;
	s11 =	smax.u32 s13, $0x1;
	s14 =	sadd.s32 s9, s5  }
0xf: {  	s5 =	sadd.s32 $0x79E00, s6;
	s6 =	sadd.s32 $0x7CE00, s6;
	s9 =	sshrl.u32 s30, $0x2  }
0x10: {  	s15 =	sadd.s32 s9, s2;
	s9 =	sadd.s32 $0x2AE00, s26;
	s10 =	sadd.s32 $0x87600, s14  }
0x11: {  	s14 =	simm.s32 $0x2;
	s13 =	sshrl.u32 s15, $0x3;
	s15 =	simm.s32 $0x80  }
.LBB2_7:
0x12: {  	s18 =	sshra.s32 s18, $0x2;
	[sflag:s14] =	ssyncadd.s32 $0xFFFFC000  }
0x13: {  	[tilespmem:s16], [sflag:$0x1] =	stream.indirect.gather [hbm4b:s4+s15], $0x80, s18, s15, $0xb8;
	[tilespmem:$0x1F400] =	vst v63  }
0x14: {  	_ =	swait.ge [sflag:s17], $0x4000  }
0x15: {  	[sflag:s17] =	ssyncset.done $0x0  }
0x16: {  	s18 =	sadd.s32 $0x3C00, s18;
	[sflag:s17] =	ssyncadd.s32 $0xFFFFC000  }
0x17: {  	[spmem:s2] =	stream.indirect.scatter.add.f32 [tilespmem:s16], [sflag:$0x2], $0x80, s18, s15, $0xb8;
	[tilespmem:$0x1F400] =	vst v63  }
0x18: {  	_ =	swait.ge [sflag:s14], $0x4000  }
0x19: {  	[sflag:s14] =	ssyncset.done $0x0  }
0x1a: {  	[sflag:s14] =	ssyncadd.s32 $0xFFFFC000  }
.LBB2_8:
0x1b: {  	s3 =	sadd.s32 $0x1, s3  }
0x1c: {  	p1 =	sne.s32 s3, s11  }
.Ltmp1:
0x1d: {  	[bflag:$0x0] =	sbarrier.arrive $0xFFFF;
	(pc) =	sbr.rel @!p1 .LBB2_9-.Ltmp1, $4  }
0x1e: {  	[hbm:s10], [sflag:s12] =	dma.local [spmem:s13], $0x2780  }
0x1f: {  	_ =	swait.ge [sflag:s14], $0x2780  }
0x20: {  	[sflag:s14] =	ssyncset.done $0x0  }
0x21: {  	[sflag:s14] =	ssyncadd.s32 $0xFFFFD880  }
.LBB2_1:
0x22: {  	s18 =	simm.s32 @p0 $0x0;
	s19 =	simm.s32 @p0 $0x2  }
0x23: {  	[tilespmem:s18], [sflag:$0x2] =	stream.linear.gather @p0 [hbm4b:s5+s18], $0x1700, $0x38;
	[tilespmem:$0x1F400] =	vst v63  }
0x24: {  	_ =	swait.ge @p0 [sflag:s19], $0x1700  }
0x25: {  	[sflag:s19] =	ssyncset.done @p0 $0x0  }
0x26: {  	s20 =	simm.s32 @p0 $0x3C00;
	[sflag:s19] =	ssyncadd.s32 @p0 $0xFFFFE900  }
0x27: {  	[tilespmem:s20], [sflag:$0x2] =	stream.linear.gather @p0 [hbm4b:s6+s18], $0x1700, $0x38;
	[tilespmem:$0x1F400] =	vst v63  }
0x28: {  	_ =	swait.ge @p0 [sflag:s19], $0x1700  }
0x29: {  	[sflag:s19] =	ssyncset.done @p0 $0x0  }
0x2a: {  	s18 =	simm.s32 @!p0 $0x0;
	[sflag:s19] =	ssyncadd.s32 @p0 $0xFFFFE900;
	s19 =	simm.s32 @!p0 $0x2  }
0x2b: {  	[tilespmem:s18], [sflag:$0x2] =	stream.linear.gather @!p0 [hbm4b:s7+s18], $0x3900, $0x38;
	[tilespmem:$0x1F400] =	vst v63  }
0x2c: {  	_ =	swait.ge @!p0 [sflag:s19], $0x3900  }
0x2d: {  	[sflag:s19] =	ssyncset.done @!p0 $0x0  }
0x2e: {  	s20 =	simm.s32 @!p0 $0x3C00;
	[sflag:s19] =	ssyncadd.s32 @!p0 $0xFFFFC700  }
0x2f: {  	[tilespmem:s20], [sflag:$0x2] =	stream.linear.gather @!p0 [hbm4b:s8+s18], $0x3900, $0x38;
	[tilespmem:$0x1F400] =	vst v63  }
0x30: {  	_ =	swait.ge @!p0 [sflag:s19], $0x3900  }
0x31: {  	[sflag:s19] =	ssyncset.done @!p0 $0x0  }
0x32: {  	[sflag:s19] =	ssyncadd.s32 @!p0 $0xFFFFC700  }
0x33: {  	[spmem:s13], [sflag:s12] =	dma.local [hbm:s9], $0x2780  }
.Ltmp2:
0x34: {  	_ =	swait.ge [sflag:s14], $0x2780;
	(pc) =	sbr.rel @p0 .LBB2_5-.Ltmp2, $4  }
0x35: {  	[sflag:s14] =	ssyncset.done $0x0  }
0x36: {  	[sflag:s14] =	ssyncadd.s32 $0xFFFFD880  }
0x37: {  	[bflag:$0x0] =	sbarrier.arrive $0xFFFF  }
0x38: {  	s18 =	simm.s32 $0x0  }
0x39: {  	[tilespmem:s16], [sflag:$0x1] =	stream.indirect.gather [hbm4b:s4+s15], $0x80, s18, s15, $0xb8;
	[tilespmem:$0x1F400] =	vst v63  }
0x3a: {  	_ =	swait.ge [sflag:s17], $0x4000  }
0x3b: {  	[sflag:s17] =	ssyncset.done $0x0  }
0x3c: {  	s31 =	simm.s32 $0x3C00;
	[sflag:s17] =	ssyncadd.s32 $0xFFFFC000  }
0x3d: {  	[spmem:s2] =	stream.indirect.scatter.add.f32 [tilespmem:s16], [sflag:$0x2], $0x80, s31, s15, $0xb8;
	[tilespmem:$0x1F400] =	vst v63  }
0x3e: {  	_ =	swait.ge [sflag:s14], $0x4000  }
0x3f: {  	s18 =	simm.s32 $0x200;
	s19 =	simm.s32 $0x400;
	[sflag:s14] =	ssyncset.done $0x0  }
.LBB2_3:
0x40: {  	s20 =	sshra.s32 s18, $0x2  }
0x41: {  	[sflag:s14] =	ssyncadd.s32 $0xFFFFC000;
	s18 =	smov.u32 s19;
	s21 =	sadd.s32 $0x200, s19  }
0x42: {  	[tilespmem:s16], [sflag:$0x1] =	stream.indirect.gather [hbm4b:s4+s15], $0x80, s20, s15, $0xb8;
	[tilespmem:$0x1F400] =	vst v63  }
0x43: {  	p1 =	seq.s32 s19, $0xE200;
	_ =	swait.ge [sflag:s17], $0x4000  }
.Ltmp3:
0x44: {  	[sflag:s17] =	ssyncset.done $0x0;
	(pc) =	sbr.rel @!p1 .LBB2_3-.Ltmp3, $4  }
0x45: {  	s19 =	sadd.s32 $0x3C00, s20;
	[sflag:s17] =	ssyncadd.s32 $0xFFFFC000  }
0x46: {  	[spmem:s2] =	stream.indirect.scatter.add.f32 [tilespmem:s16], [sflag:$0x2], $0x80, s19, s15, $0xb8;
	[tilespmem:$0x1F400] =	vst v63  }
0x47: {  	_ =	swait.ge [sflag:s14], $0x4000  }
0x48: {  	s19 =	smov.u32 s21;
	[sflag:s14] =	ssyncset.done $0x0  }
0x49: {  	s18 =	sshra.s32 s18, $0x2;
	[sflag:s14] =	ssyncadd.s32 $0xFFFFC000  }
0x4a: {  	[tilespmem:s16], [sflag:$0x1] =	stream.indirect.gather [hbm4b:s4+s15], $0x80, s18, s15, $0xb8;
	[tilespmem:$0x1F400] =	vst v63  }
0x4b: {  	_ =	swait.ge [sflag:s17], $0x4000  }
0x4c: {  	[sflag:s17] =	ssyncset.done $0x0  }
.Ltmp4:
0x4d: {  	s18 =	sadd.s32 $0x3C00, s18;
	[sflag:s17] =	ssyncadd.s32 $0xFFFFC000;
	(pc) =	sbr.rel .LBB2_8-.Ltmp4, $4  }
0x4e: {  	[spmem:s2] =	stream.indirect.scatter.add.f32 [tilespmem:s16], [sflag:$0x2], $0x80, s18, s15, $0xb8;
	[tilespmem:$0x1F400] =	vst v63  }
0x4f: {  	_ =	swait.ge [sflag:s14], $0x4000  }
0x50: {  	[sflag:s14] =	ssyncset.done $0x0  }
0x51: {  	[sflag:s14] =	ssyncadd.s32 $0xFFFFC000  }
.LBB2_5:
0x52: {  	[tilespmem:s16], [sflag:$0x1] =	stream.indirect.gather [hbm4b:s4+s15], $0x80, s18, s15, $0xb8;
	[tilespmem:$0x1F400] =	vst v63  }
0x53: {  	_ =	swait.ge [sflag:s17], $0x4000  }
0x54: {  	[sflag:s17] =	ssyncset.done $0x0  }
0x55: {  	s31 =	simm.s32 $0x3C00;
	[sflag:s17] =	ssyncadd.s32 $0xFFFFC000  }
0x56: {  	[spmem:s2] =	stream.indirect.scatter.add.f32 [tilespmem:s16], [sflag:$0x2], $0x80, s31, s15, $0xb8;
	[tilespmem:$0x1F400] =	vst v63  }
0x57: {  	_ =	swait.ge [sflag:s14], $0x4000  }
0x58: {  	s18 =	simm.s32 $0x200;
	s19 =	simm.s32 $0x400;
	[sflag:s14] =	ssyncset.done $0x0  }
.LBB2_6:
0x59: {  	s20 =	sshra.s32 s18, $0x2  }
0x5a: {  	[sflag:s14] =	ssyncadd.s32 $0xFFFFC000;
	s18 =	smov.u32 s19;
	s21 =	sadd.s32 $0x200, s19  }
0x5b: {  	[tilespmem:s16], [sflag:$0x1] =	stream.indirect.gather [hbm4b:s4+s15], $0x80, s20, s15, $0xb8;
	[tilespmem:$0x1F400] =	vst v63  }
0x5c: {  	p1 =	sne.s32 s19, $0x5A00;
	_ =	swait.ge [sflag:s17], $0x4000  }
.Ltmp5:
0x5d: {  	[sflag:s17] =	ssyncset.done $0x0;
	(pc) =	sbr.rel @p1 .LBB2_6-.Ltmp5, $4  }
0x5e: {  	s19 =	sadd.s32 $0x3C00, s20;
	[sflag:s17] =	ssyncadd.s32 $0xFFFFC000  }
0x5f: {  	[spmem:s2] =	stream.indirect.scatter.add.f32 [tilespmem:s16], [sflag:$0x2], $0x80, s19, s15, $0xb8;
	[tilespmem:$0x1F400] =	vst v63  }
0x60: {  	_ =	swait.ge [sflag:s14], $0x4000  }
0x61: {  	s19 =	smov.u32 s21;
	[sflag:s14] =	ssyncset.done $0x0  }
.Ltmp6:
0x62: {  	_ = 	snop;
	(pc) =	sbr.rel .LBB2_7-.Ltmp6, $1  }
0x63: {  	_ =	sdelay $0x3  }
.LBB2_9:
0x64: {  	_ =	sfence.sel $0x180000  }
0x65: {  	[bflag:$0x0] =	sbarrier.arrive $0xFFFF  }
0x66: {  	p0 =	sne.s32 s1, $0x0;
	_ =	strace $0x9000004A  }
0x67: {  	s0 =	sadd.s32 @!p0 $0x100000, s0;
	[bflag:$0x2] =	sbarrier.arrive $0xFFFF  }
0x68: {  	[sflag:s0] =	ssyncadd.tile.s32 @!p0 $0x1;
	_ =	shalt  }
.Lfunc_end2:
_tile_overlayer_lowered:
.L_overlay_start_2:
0x69: {  	(tag) =	ssettag $0x2  }
0x6a: {  	s0 =	rddreg [dreg:$0x0];
	s2 =	stileid.u32  }
0x6b: {  	s1 =	rddreg [dreg:$0x1];
	p0 =	sne.s32 s2, $0x0  }
0x6c: {  	s3 =	rddreg [dreg:$0x2];
	[bflag:$0x3] =	sbarrier.arrive $0xFFFF;
	s2 =	simm.s32 @!p0 $0x1C02  }
0x6d: {  	[timem:s3], [sflag:s2] =	dma.local @!p0 [hbm:s0], s1  }
0x6e: {  	s0 =	simm.s32 @!p0 $0x2  }
0x6f: {  	_ =	swait.ge @!p0 [sflag:s0], s1  }
0x70: {  	s1 =	ssub.s32 @!p0 $0x0, s1;
	[sflag:s0] =	ssyncset.done @!p0 $0x0  }
0x71: {  	[sflag:s0] =	ssyncadd.s32 @!p0 s1  }
0x72: {  	[bflag:$0x3] =	sbarrier.arrive $0xFFFF  }
0x73: {  	_ =	shalt  }

// kernel: kernel.16.cloned.1.call-start
scs
__scs_entry_jumppad:
0x0: {  	(pc) =	sbr.rel $0x88, $3  }
0x1: {  	(tag) =	ssettag $0x0;
	lr =	simm.s32 $0x1  }
0x2: {  	[smem:$0x3F91] =	sst lr;
	_ =	strace $0xD0000000  }
0x3: {  	_ = 	snop  }
0x4: {  	_ = 	snop  }
0x5: {  	_ = 	snop  }
0x6: {  	_ = 	snop  }
0x7: {  	_ = 	snop  }
__scs_overlays_trampoline_lowered:
0x8: {  	[smem:$0x3FA0] =	sst s0  }
0x9: {  	[smem:$0x3FA1] =	sst s1  }
0xa: {  	[smem:$0x3FA2] =	sst s2  }
0xb: {  	[smem:$0x3FA3] =	sst s3  }
0xc: {  	[smem:$0x3FA4] =	sst s4  }
0xd: {  	[smem:$0x3FA5] =	sst s5  }
0xe: {  	[smem:$0x3FA6] =	sst s6  }
0xf: {  	[smem:$0x3FA7] =	sst s7  }
0x10: {  	[smem:$0x3FA8] =	sst s8  }
0x11: {  	[smem:$0x3FA9] =	sst s9;
	s0 =	simm.s32 @!p0 $0x0  }
0x12: {  	s1 =	sld [smem:$0x3F8F];
	s0 =	simm.s32 @p0 $0x1  }
0x13: {  	[smem:$0x3FAA] =	sst s0;
	s0 =	simm.s32 @!p1 $0x0  }
0x14: {  	s2 =	sld [smem:$0x3F8E];
	s0 =	simm.s32 @p1 $0x1  }
0x15: {  	[smem:$0x3FAB] =	sst s0;
	s0 =	simm.s32 @!p2 $0x0  }
0x16: {  	s3 =	sld [smem:$0x3FDB];
	s0 =	simm.s32 @p2 $0x1  }
0x17: {  	s4 =	simm.s32 $0x1BF5;
	[smem:$0x3FAD] =	sst s0  }
0x18: {  	s0 =	sld [smem:$0x3F90];
	_ =	swait.ge [sflag:s4], $0x0  }
0x19: {  	s7 =	sld [smem:$0x3F91]  }
0x1a: {  	s8 =	sadd.s32 $0xFFFFE003, lr  }
0x1b: {  	s9 =	sadd.s32 $0xFFFFFEF7, lr;
	s5 =	simm.s32 $0xFFFFFFFF;
	p2 =	slt.u32 s8, $0xFFFFF086  }
0x1c: {  	p1 =	slt.u32 s9, $0xF7A;
	s5 =	simm.s32 @!p2 $0x0  }
0x1d: {  	s5 =	simm.s32 @p1 $0x1;
	p0 =	seq.s32 s7, s2  }
0x1e: {  	s7 =	smul.u32 @!p0 $0xF7A, s2;
	p2 =	seq.s32 @!p0 s5, $0x0  }
0x1f: {  	s9 =	smul.u32 $0xF7A, s1;
	s8 =	simm.s32 @!p0 $0x1BF5;
	p2 =	por !p2, p0  }
0x20: {  	[sflag:s8] =	ssyncset.s32 @!p0 $0xFFFFF086;
	s6 =	sadd.s32 @!p0 s3, s7;
	s7 =	simm.s32 @!p0 $0x108  }
0x21: {  	s3 =	sadd.s32 s3, s9;
	s6 =	sadd.s32 @!p0 $0x88, s6;
	s7 =	simm.s32 @p2 $0x1082  }
0x22: {  	[simem:s7], [sflag:s8] =	dma.local @!p0 [hbm:s6], $0xF7A  }
0x23: {  	s9 =	sor.u32 $0xD0000000, s2;
	s6 =	simm.s32 $0x108;
	_ =	swait.ge @!p0 [sflag:s8], $0x0  }
0x24: {  	s3 =	sadd.s32 $0x88, s3;
	s6 =	simm.s32 @!p1 $0x1082;
	[sflag:s4] =	ssyncset.s32 $0xFFFFF086  }
0x25: {  	[simem:s6], [sflag:s4] =	dma.local [hbm:s3], $0xF7A  }
0x26: {  	[smem:$0x3F91] =	sst s1;
	(tag) =	ssettag s2;
	_ =	strace s9  }
0x27: {  	s1 =	sld [smem:$0x3FA1]  }
0x28: {  	s2 =	sld [smem:$0x3FA2]  }
0x29: {  	s4 =	sld [smem:$0x3FA4]  }
0x2a: {  	p0 =	seq.s32 s5, $0x0;
	s5 =	sld [smem:$0x3FA5]  }
0x2b: {  	s6 =	sld [smem:$0x3FA6]  }
0x2c: {  	s7 =	sld [smem:$0x3FA7]  }
0x2d: {  	s3 =	simm.s32 $0x108;
	s8 =	sld [smem:$0x3FA8]  }
0x2e: {  	s3 =	simm.s32 @!p0 $0x1082;
	s9 =	sld [smem:$0x3FA9]  }
0x2f: {  	lr =	sadd.s32 s0, s3;
	s0 =	sld [smem:$0x3FA0]  }
0x30: {  	s3 =	sld [smem:$0x3FA3]  }
0x31: {  	[smem:$0x3FAC] =	sst s10  }
0x32: {  	s10 =	sld [smem:$0x3FAA];
	_ =	sdelay $0x3  }
0x33: {  	p0 =	seq.s32 s10, $0x1;
	s10 =	sld [smem:$0x3FAC];
	_ =	sdelay $0x3  }
0x34: {  	[smem:$0x3FAC] =	sst s10  }
0x35: {  	s10 =	sld [smem:$0x3FAB];
	_ =	sdelay $0x3  }
0x36: {  	p1 =	seq.s32 s10, $0x1;
	s10 =	sld [smem:$0x3FAC];
	_ =	sdelay $0x3  }
0x37: {  	[smem:$0x3FAC] =	sst s10  }
0x38: {  	s10 =	sld [smem:$0x3FAD]  }
0x39: {  	_ = 	snop;
	(pc) =	sbr.ind lr, $3  }
0x3a: {  	_ = 	snop  }
0x3b: {  	_ = 	snop  }
0x3c: {  	p2 =	seq.s32 s10, $0x1;
	s10 =	sld [smem:$0x3FAC]  }
0x3d: {  	_ =	shalt  }
0x3e: {  	_ =	shalt  }
0x3f: {  	_ =	shalt  }
0x40: {  	_ =	shalt  }
0x41: {  	_ =	shalt  }
0x42: {  	_ =	shalt  }
0x43: {  	_ =	shalt  }
0x44: {  	_ =	shalt  }
0x45: {  	_ =	shalt  }
0x46: {  	_ =	shalt  }
0x47: {  	_ =	shalt  }
0x48: {  	_ =	shalt  }
0x49: {  	_ =	shalt  }
0x4a: {  	_ =	shalt  }
0x4b: {  	_ =	shalt  }
0x4c: {  	_ =	shalt  }
0x4d: {  	_ =	shalt  }
0x4e: {  	_ =	shalt  }
0x4f: {  	_ =	shalt  }
0x50: {  	_ =	shalt  }
0x51: {  	_ =	shalt  }
0x52: {  	_ =	shalt  }
0x53: {  	_ =	shalt  }
0x54: {  	_ =	shalt  }
0x55: {  	_ =	shalt  }
0x56: {  	_ =	shalt  }
0x57: {  	_ =	shalt  }
0x58: {  	_ =	shalt  }
0x59: {  	_ =	shalt  }
0x5a: {  	_ =	shalt  }
0x5b: {  	_ =	shalt  }
0x5c: {  	_ =	shalt  }
0x5d: {  	_ =	shalt  }
0x5e: {  	_ =	shalt  }
0x5f: {  	_ =	shalt  }
0x60: {  	_ =	shalt  }
0x61: {  	_ =	shalt  }
0x62: {  	_ =	shalt  }
0x63: {  	_ =	shalt  }
0x64: {  	_ =	shalt  }
0x65: {  	_ =	shalt  }
0x66: {  	_ =	shalt  }
0x67: {  	_ =	shalt  }
0x68: {  	_ =	shalt  }
0x69: {  	_ =	shalt  }
0x6a: {  	_ =	shalt  }
0x6b: {  	_ =	shalt  }
0x6c: {  	_ =	shalt  }
0x6d: {  	_ =	shalt  }
0x6e: {  	_ =	shalt  }
0x6f: {  	_ =	shalt  }
0x70: {  	_ =	shalt  }
0x71: {  	_ =	shalt  }
0x72: {  	_ =	shalt  }
0x73: {  	_ =	shalt  }
0x74: {  	_ =	shalt  }
0x75: {  	_ =	shalt  }
0x76: {  	_ =	shalt  }
0x77: {  	_ =	shalt  }
0x78: {  	_ =	shalt  }
0x79: {  	_ =	shalt  }
0x7a: {  	_ =	shalt  }
0x7b: {  	_ =	shalt  }
0x7c: {  	_ =	shalt  }
0x7d: {  	_ =	shalt  }
0x7e: {  	_ =	shalt  }
0x7f: {  	_ =	shalt  }
0x80: {  	_ =	shalt  }
0x81: {  	_ =	shalt  }
0x82: {  	_ =	shalt  }
0x83: {  	_ =	shalt  }
0x84: {  	_ =	shalt  }
0x85: {  	_ =	shalt  }
0x86: {  	_ =	shalt  }
0x87: {  	_ =	shalt  }
.Lfunc_end0:
.L_simem_size_0:
called_computation.2_lowered:
.L_overlay_start_0:
0x88: {  	s2 =	sld [smem:$0x3FD9]  }
0x89: {  	s3 =	sld [smem:$0x3FFE];
	_ =	sdelay $0x1  }
0x8a: {  	s1 =	srdreg.scid  }
0x8b: {  	s0 =	sand.u32 $0x1, s1  }
0x8c: {  	s14 =	sshll.u32 s0, $0xA;
	s2 =	sadd.s32 s3, s2  }
0x8d: {  	s2 =	sadd.s32 s2, s14  }
0x8e: {  	[smem:$0x3FB8] =	sst s2  }
0x8f: {  	_ = 	snop  }
0x90: {  	s2 =	sld [smem:$0x3FD0];
	_ =	sdelay $0x2  }
0x91: {  	s15 =	simm.s32 $0xA;
	s4 =	simm.s32 $0x10  }
0x92: {  	[smem:s4], [sflag:s15] =	dma.local [hbm:s2], $0x1  }
0x93: {  	_ =	swait.eq [sflag:s15], $0x1  }
0x94: {  	[sflag:s15] =	ssyncset.done $0x0  }
0x95: {  	[sflag:s15] =	ssyncadd.s32 $0xFFFFFFFF  }
0x96: {  	s16 =	sld [smem:$0x11];
	(tm) =	ssettm $0x1  }
0x97: {  	s17 =	sld [smem:$0x3FFB];
	_ =	sdelay $0x3  }
0x98: {  	_ =	strace s17  }
0x99: {  	s3 =	sld [smem:$0x3FFC];
	_ =	sdelay $0x3  }
0x9a: {  	_ =	strace s3  }
0x9b: {  	s3 =	sld [smem:$0x3FFD];
	_ =	sdelay $0x3  }
0x9c: {  	_ =	strace s3  }
0x9d: {  	_ =	strace $0x8FFFFFFF  }
0x9e: {  	s18 =	sld [smem:$0x3FDB];
	_ =	sdelay $0x1  }
0x9f: {  	s19 =	simm.s32 $_scs_section_size  }
0xa0: {  	s5 =	simm.s32 $_size__tile_overlayer_lowered;
	s6 =	simm.s32 $_tile_overlayer_lowered  }
0xa1: {  	s22 =	simm.s32 $0x1BFF;
	s21 =	sshll.u32 s6, $0x1;
	s3 =	sadd.s32 s19, s18  }
0xa2: {  	s7 =	simm.s32 $0x0;
	s20 =	sshll.u32 s5, $0x1;
	s5 =	sadd.s32 s21, s3  }
0xa3: {  	[timem:s7], [sflag:s22] =	dma.local [hbm:s5], s20  }
0xa4: {  	_ =	swait.ge [sflag:s22], s20  }
0xa5: {  	s4 =	ssub.s32 $0x0, s20;
	[sflag:s22] =	ssyncset.done $0x0  }
0xa6: {  	[sflag:s22] =	ssyncadd.s32 s4;
	_ =	sdelay $0x1  }
0xa7: {  	s23 =	simm.s32 $0x1B8B  }
0xa8: {  	_ =	swait.ge [sflag:s23], $0x1  }
0xa9: {  	[sflag:s23] =	ssyncset.done $0x0  }
0xaa: {  	s25 =	simm.s32 $0x1B8E;
	s24 =	sld [smem:$0x3FFE];
	[sflag:s23] =	ssyncadd.s32 $0xFFFFFFFF  }
0xab: {  	s26 =	simm.s32 $execute0_lowered;
	[smem:$0x3FD2] =	sst s25  }
0xac: {  	s5 =	sshll.u32 s26, $0x1;
	_ =	strace $0x8000004C;
	[dreg:$0x1] =	wrdreg $0xFFFFFFFF  }
0xad: {  	s28 =	simm.s32 $_size_execute0_lowered;
	s3 =	sadd.s32 s3, s5;
	[dreg:$0x0] =	wrdreg $0x0  }
0xae: {  	s5 =	sshll.u32 s28, $0x1;
	[dreg:$0x2] =	wrdreg s3  }
0xaf: {  	[dreg:$0x3] =	wrdreg s5  }
0xb0: {  	[dreg:$0x4] =	wrdreg $0xC0  }
0xb1: {  	_ =	task [dreg:s7], $0x5FFFF  }
0xb2: {  	[dreg:$0x1] =	wrdreg $0xFFFFFFFF  }
0xb3: {  	[dreg:$0x0] =	wrdreg $0x60  }
0xb4: {  	[dreg:$0x2] =	wrdreg s24  }
0xb5: {  	[dreg:$0x3] =	wrdreg s16  }
0xb6: {  	[dreg:$0x4] =	wrdreg $0xB8000  }
0xb7: {  	[dreg:$0x5] =	wrdreg $0x9  }
0xb8: {  	_ =	task.clear_ibuf [dreg:s7], $0x6FFFF;
	_ =	strace $0x9000004C  }
0xb9: {  	s29 =	simm.s32 $0x9;
	_ =	strace $0x8000004E  }
0xba: {  	_ =	swait.ge [sflag:s29], $0x1  }
0xbb: {  	[sflag:s29] =	ssyncadd.s32 $0xFFFFFFFF  }
0xbc: {  	_ =	strace $0x9000004E  }
0xbd: {  	_ =	sfence  }
0xbe: {  	s30 =	sld [smem:$0x0];
	_ =	sdelay $0x2  }
0xbf: {  	s31 =	sshll.u32 s1, $0xD;
	s1 =	sshrl.u32 s1, $0x2  }
0xc0: {  	s3 =	sand.u32 $0x4000, s31;
	s1 =	sadd.s32 s1, s30  }
0xc1: {  	s0 =	sor.u32 s3, s0;
	s1 =	sshll.u32 s1, $0x11  }
0xc2: {  	s0 =	sor.u32 s1, s0  }
0xc3: {  	s0 =	sadd.s32 $0x8F2B, s0  }
0xc4: {  	[sflag:s0] =	ssyncadd.remote.s32 $0x1  }
0xc5: {  	_ =	sfence.sel $0xFFFF  }
0xc6: {  	[dreg:$0x0] =	wrdreg $0xFFFFFFFF;
	(pc) =	sbr.abs _section_cstart, $3  }
0xc7: {  	[dreg:$0x1] =	wrdreg $0xFFFFFFFF  }
0xc8: {  	_ =	task.clear_ibuf [dreg:s7], $0x2FFFF;
	_ =	strace $0x9FFFFFFF  }
0xc9: {  	(tm) =	ssettm $0x7FFFFFFF  }
tec
execute0_lowered:
.L_overlay_start_1:
0x0: {  	(tag) =	ssettag $0x1  }
0x1: {  	s5 =	rddreg [dreg:$0x0]  }
0x2: {  	s7 =	rddreg [dreg:$0x1]  }
0x3: {  	s2 =	rddreg [dreg:$0x2]  }
0x4: {  	s1 =	stileid.u32;
	s0 =	rddreg [dreg:$0x3]  }
0x5: {  	s4 =	srdreg.scid;
	s3 =	simm.s32 $0x0;
	s8 =	smul.u32 $0x780, s1  }
0x6: {  	s16 =	simm.s32 $0x7800;
	s17 =	simm.s32 $0x1;
	s6 =	smul.u32 $0x300, s1  }
0x7: {  	s9 =	smul.u32 $0x13C00, s1;
	s12 =	sand.u32 $0x1, s4;
	[smem:$0x7FF] =	sst s3  }
0x8: {  	s4 =	sadd.s32 $0x3600, s5;
	s30 =	smul.u32 $0x4F000, s1;
	s31 =	sshll.u32 s1, $0x6  }
0x9: {  	s10 =	smul.u32 $0x13C000, s12;
	_ =	strace $0x8000004D;
	s28 =	ssub.s32 $0x2, s12  }
0xa: {  	p0 =	sne.s32 s12, $0x0;
	s12 =	sor.u32 $0x1C02, s31;
	s11 =	sadd.s32 s8, s5  }
0xb: {  	s6 =	sadd.s32 s6, s5;
	s13 =	sshrl.u32 s9, $0x3;
	s29 =	sshrl.u32 s28, $0x1  }
0xc: {  	s7 =	sadd.s32 s7, s8;
	s9 =	sadd.s32 s9, s10;
	s26 =	sadd.s32 s13, s5  }
.Ltmp0:
0xd: {  	s13 =	ssub.s32 s28, s29;
	s9 =	sshrl.u32 s9, $0x3;
	(pc) =	sbr.rel .LBB2_1-.Ltmp0, $4  }
0xe: {  	s8 =	sadd.s32 $0x7FE00, s11;
	s11 =	smax.u32 s13, $0x1;
	s14 =	sadd.s32 s9, s5  }
0xf: {  	s5 =	sadd.s32 $0x79E00, s6;
	s6 =	sadd.s32 $0x7CE00, s6;
	s9 =	sshrl.u32 s30, $0x2  }
0x10: {  	s15 =	sadd.s32 s9, s2;
	s9 =	sadd.s32 $0x2AE00, s26;
	s10 =	sadd.s32 $0x87600, s14  }
0x11: {  	s14 =	simm.s32 $0x2;
	s13 =	sshrl.u32 s15, $0x3;
	s15 =	simm.s32 $0x80  }
.LBB2_7:
0x12: {  	s18 =	sshra.s32 s18, $0x2;
	[sflag:s14] =	ssyncadd.s32 $0xFFFFC000  }
0x13: {  	[tilespmem:s16], [sflag:$0x1] =	stream.indirect.gather [hbm4b:s4+s15], $0x80, s18, s15, $0xb8;
	[tilespmem:$0x1F400] =	vst v63  }
0x14: {  	_ =	swait.ge [sflag:s17], $0x4000  }
0x15: {  	[sflag:s17] =	ssyncset.done $0x0  }
0x16: {  	s18 =	sadd.s32 $0x3C00, s18;
	[sflag:s17] =	ssyncadd.s32 $0xFFFFC000  }
0x17: {  	[spmem:s2] =	stream.indirect.scatter.add.f32 [tilespmem:s16], [sflag:$0x2], $0x80, s18, s15, $0xb8;
	[tilespmem:$0x1F400] =	vst v63  }
0x18: {  	_ =	swait.ge [sflag:s14], $0x4000  }
0x19: {  	[sflag:s14] =	ssyncset.done $0x0  }
0x1a: {  	[sflag:s14] =	ssyncadd.s32 $0xFFFFC000  }
.LBB2_8:
0x1b: {  	s3 =	sadd.s32 $0x1, s3  }
0x1c: {  	p1 =	sne.s32 s3, s11  }
.Ltmp1:
0x1d: {  	[bflag:$0x0] =	sbarrier.arrive $0xFFFF;
	(pc) =	sbr.rel @!p1 .LBB2_9-.Ltmp1, $4  }
0x1e: {  	[hbm:s10], [sflag:s12] =	dma.local [spmem:s13], $0x2780  }
0x1f: {  	_ =	swait.ge [sflag:s14], $0x2780  }
0x20: {  	[sflag:s14] =	ssyncset.done $0x0  }
0x21: {  	[sflag:s14] =	ssyncadd.s32 $0xFFFFD880  }
.LBB2_1:
0x22: {  	s18 =	simm.s32 @p0 $0x0;
	s19 =	simm.s32 @p0 $0x2  }
0x23: {  	[tilespmem:s18], [sflag:$0x2] =	stream.linear.gather @p0 [hbm4b:s5+s18], $0x1700, $0x38;
	[tilespmem:$0x1F400] =	vst v63  }
0x24: {  	_ =	swait.ge @p0 [sflag:s19], $0x1700  }
0x25: {  	[sflag:s19] =	ssyncset.done @p0 $0x0  }
0x26: {  	s20 =	simm.s32 @p0 $0x3C00;
	[sflag:s19] =	ssyncadd.s32 @p0 $0xFFFFE900  }
0x27: {  	[tilespmem:s20], [sflag:$0x2] =	stream.linear.gather @p0 [hbm4b:s6+s18], $0x1700, $0x38;
	[tilespmem:$0x1F400] =	vst v63  }
0x28: {  	_ =	swait.ge @p0 [sflag:s19], $0x1700  }
0x29: {  	[sflag:s19] =	ssyncset.done @p0 $0x0  }
0x2a: {  	s18 =	simm.s32 @!p0 $0x0;
	[sflag:s19] =	ssyncadd.s32 @p0 $0xFFFFE900;
	s19 =	simm.s32 @!p0 $0x2  }
0x2b: {  	[tilespmem:s18], [sflag:$0x2] =	stream.linear.gather @!p0 [hbm4b:s7+s18], $0x3900, $0x38;
	[tilespmem:$0x1F400] =	vst v63  }
0x2c: {  	_ =	swait.ge @!p0 [sflag:s19], $0x3900  }
0x2d: {  	[sflag:s19] =	ssyncset.done @!p0 $0x0  }
0x2e: {  	s20 =	simm.s32 @!p0 $0x3C00;
	[sflag:s19] =	ssyncadd.s32 @!p0 $0xFFFFC700  }
0x2f: {  	[tilespmem:s20], [sflag:$0x2] =	stream.linear.gather @!p0 [hbm4b:s8+s18], $0x3900, $0x38;
	[tilespmem:$0x1F400] =	vst v63  }
0x30: {  	_ =	swait.ge @!p0 [sflag:s19], $0x3900  }
0x31: {  	[sflag:s19] =	ssyncset.done @!p0 $0x0  }
0x32: {  	[sflag:s19] =	ssyncadd.s32 @!p0 $0xFFFFC700  }
0x33: {  	[spmem:s13], [sflag:s12] =	dma.local [hbm:s9], $0x2780  }
.Ltmp2:
0x34: {  	_ =	swait.ge [sflag:s14], $0x2780;
	(pc) =	sbr.rel @p0 .LBB2_5-.Ltmp2, $4  }
0x35: {  	[sflag:s14] =	ssyncset.done $0x0  }
0x36: {  	[sflag:s14] =	ssyncadd.s32 $0xFFFFD880  }
0x37: {  	[bflag:$0x0] =	sbarrier.arrive $0xFFFF  }
0x38: {  	s18 =	simm.s32 $0x0  }
0x39: {  	[tilespmem:s16], [sflag:$0x1] =	stream.indirect.gather [hbm4b:s4+s15], $0x80, s18, s15, $0xb8;
	[tilespmem:$0x1F400] =	vst v63  }
0x3a: {  	_ =	swait.ge [sflag:s17], $0x4000  }
0x3b: {  	[sflag:s17] =	ssyncset.done $0x0  }
0x3c: {  	s31 =	simm.s32 $0x3C00;
	[sflag:s17] =	ssyncadd.s32 $0xFFFFC000  }
0x3d: {  	[spmem:s2] =	stream.indirect.scatter.add.f32 [tilespmem:s16], [sflag:$0x2], $0x80, s31, s15, $0xb8;
	[tilespmem:$0x1F400] =	vst v63  }
0x3e: {  	_ =	swait.ge [sflag:s14], $0x4000  }
0x3f: {  	s18 =	simm.s32 $0x200;
	s19 =	simm.s32 $0x400;
	[sflag:s14] =	ssyncset.done $0x0  }
.LBB2_3:
0x40: {  	s20 =	sshra.s32 s18, $0x2  }
0x41: {  	[sflag:s14] =	ssyncadd.s32 $0xFFFFC000;
	s18 =	smov.u32 s19;
	s21 =	sadd.s32 $0x200, s19  }
0x42: {  	[tilespmem:s16], [sflag:$0x1] =	stream.indirect.gather [hbm4b:s4+s15], $0x80, s20, s15, $0xb8;
	[tilespmem:$0x1F400] =	vst v63  }
0x43: {  	p1 =	seq.s32 s19, $0xE200;
	_ =	swait.ge [sflag:s17], $0x4000  }
.Ltmp3:
0x44: {  	[sflag:s17] =	ssyncset.done $0x0;
	(pc) =	sbr.rel @!p1 .LBB2_3-.Ltmp3, $4  }
0x45: {  	s19 =	sadd.s32 $0x3C00, s20;
	[sflag:s17] =	ssyncadd.s32 $0xFFFFC000  }
0x46: {  	[spmem:s2] =	stream.indirect.scatter.add.f32 [tilespmem:s16], [sflag:$0x2], $0x80, s19, s15, $0xb8;
	[tilespmem:$0x1F400] =	vst v63  }
0x47: {  	_ =	swait.ge [sflag:s14], $0x4000  }
0x48: {  	s19 =	smov.u32 s21;
	[sflag:s14] =	ssyncset.done $0x0  }
0x49: {  	s18 =	sshra.s32 s18, $0x2;
	[sflag:s14] =	ssyncadd.s32 $0xFFFFC000  }
0x4a: {  	[tilespmem:s16], [sflag:$0x1] =	stream.indirect.gather [hbm4b:s4+s15], $0x80, s18, s15, $0xb8;
	[tilespmem:$0x1F400] =	vst v63  }
0x4b: {  	_ =	swait.ge [sflag:s17], $0x4000  }
0x4c: {  	[sflag:s17] =	ssyncset.done $0x0  }
.Ltmp4:
0x4d: {  	s18 =	sadd.s32 $0x3C00, s18;
	[sflag:s17] =	ssyncadd.s32 $0xFFFFC000;
	(pc) =	sbr.rel .LBB2_8-.Ltmp4, $4  }
0x4e: {  	[spmem:s2] =	stream.indirect.scatter.add.f32 [tilespmem:s16], [sflag:$0x2], $0x80, s18, s15, $0xb8;
	[tilespmem:$0x1F400] =	vst v63  }
0x4f: {  	_ =	swait.ge [sflag:s14], $0x4000  }
0x50: {  	[sflag:s14] =	ssyncset.done $0x0  }
0x51: {  	[sflag:s14] =	ssyncadd.s32 $0xFFFFC000  }
.LBB2_5:
0x52: {  	[tilespmem:s16], [sflag:$0x1] =	stream.indirect.gather [hbm4b:s4+s15], $0x80, s18, s15, $0xb8;
	[tilespmem:$0x1F400] =	vst v63  }
0x53: {  	_ =	swait.ge [sflag:s17], $0x4000  }
0x54: {  	[sflag:s17] =	ssyncset.done $0x0  }
0x55: {  	s31 =	simm.s32 $0x3C00;
	[sflag:s17] =	ssyncadd.s32 $0xFFFFC000  }
0x56: {  	[spmem:s2] =	stream.indirect.scatter.add.f32 [tilespmem:s16], [sflag:$0x2], $0x80, s31, s15, $0xb8;
	[tilespmem:$0x1F400] =	vst v63  }
0x57: {  	_ =	swait.ge [sflag:s14], $0x4000  }
0x58: {  	s18 =	simm.s32 $0x200;
	s19 =	simm.s32 $0x400;
	[sflag:s14] =	ssyncset.done $0x0  }
.LBB2_6:
0x59: {  	s20 =	sshra.s32 s18, $0x2  }
0x5a: {  	[sflag:s14] =	ssyncadd.s32 $0xFFFFC000;
	s18 =	smov.u32 s19;
	s21 =	sadd.s32 $0x200, s19  }
0x5b: {  	[tilespmem:s16], [sflag:$0x1] =	stream.indirect.gather [hbm4b:s4+s15], $0x80, s20, s15, $0xb8;
	[tilespmem:$0x1F400] =	vst v63  }
0x5c: {  	p1 =	sne.s32 s19, $0x5A00;
	_ =	swait.ge [sflag:s17], $0x4000  }
.Ltmp5:
0x5d: {  	[sflag:s17] =	ssyncset.done $0x0;
	(pc) =	sbr.rel @p1 .LBB2_6-.Ltmp5, $4  }
0x5e: {  	s19 =	sadd.s32 $0x3C00, s20;
	[sflag:s17] =	ssyncadd.s32 $0xFFFFC000  }
0x5f: {  	[spmem:s2] =	stream.indirect.scatter.add.f32 [tilespmem:s16], [sflag:$0x2], $0x80, s19, s15, $0xb8;
	[tilespmem:$0x1F400] =	vst v63  }
0x60: {  	_ =	swait.ge [sflag:s14], $0x4000  }
0x61: {  	s19 =	smov.u32 s21;
	[sflag:s14] =	ssyncset.done $0x0  }
.Ltmp6:
0x62: {  	_ = 	snop;
	(pc) =	sbr.rel .LBB2_7-.Ltmp6, $1  }
0x63: {  	_ =	sdelay $0x3  }
.LBB2_9:
0x64: {  	_ =	sfence.sel $0x180000  }
0x65: {  	[bflag:$0x0] =	sbarrier.arrive $0xFFFF  }
0x66: {  	p0 =	sne.s32 s1, $0x0;
	_ =	strace $0x9000004D  }
0x67: {  	s0 =	sadd.s32 @!p0 $0x100000, s0;
	[bflag:$0x2] =	sbarrier.arrive $0xFFFF  }
0x68: {  	[sflag:s0] =	ssyncadd.tile.s32 @!p0 $0x1;
	_ =	shalt  }
.Lfunc_end2:
_tile_overlayer_lowered:
.L_overlay_start_2:
0x69: {  	(tag) =	ssettag $0x2  }
0x6a: {  	s0 =	rddreg [dreg:$0x0];
	s2 =	stileid.u32  }
0x6b: {  	s1 =	rddreg [dreg:$0x1];
	p0 =	sne.s32 s2, $0x0  }
0x6c: {  	s3 =	rddreg [dreg:$0x2];
	[bflag:$0x3] =	sbarrier.arrive $0xFFFF;
	s2 =	simm.s32 @!p0 $0x1C02  }
0x6d: {  	[timem:s3], [sflag:s2] =	dma.local @!p0 [hbm:s0], s1  }
0x6e: {  	s0 =	simm.s32 @!p0 $0x2  }
0x6f: {  	_ =	swait.ge @!p0 [sflag:s0], s1  }
0x70: {  	s1 =	ssub.s32 @!p0 $0x0, s1;
	[sflag:s0] =	ssyncset.done @!p0 $0x0  }
0x71: {  	[sflag:s0] =	ssyncadd.s32 @!p0 s1  }
0x72: {  	[bflag:$0x3] =	sbarrier.arrive $0xFFFF  }
0x73: {  	_ =	shalt  }

// kernel: kernel.19.cloned.1.call-start
scs
__scs_entry_jumppad:
0x0: {  	(pc) =	sbr.rel $0x88, $3  }
0x1: {  	(tag) =	ssettag $0x0;
	lr =	simm.s32 $0x1  }
0x2: {  	[smem:$0x3F91] =	sst lr;
	_ =	strace $0xD0000000  }
0x3: {  	_ = 	snop  }
0x4: {  	_ = 	snop  }
0x5: {  	_ = 	snop  }
0x6: {  	_ = 	snop  }
0x7: {  	_ = 	snop  }
__scs_overlays_trampoline_lowered:
0x8: {  	[smem:$0x3FA0] =	sst s0  }
0x9: {  	[smem:$0x3FA1] =	sst s1  }
0xa: {  	[smem:$0x3FA2] =	sst s2  }
0xb: {  	[smem:$0x3FA3] =	sst s3  }
0xc: {  	[smem:$0x3FA4] =	sst s4  }
0xd: {  	[smem:$0x3FA5] =	sst s5  }
0xe: {  	[smem:$0x3FA6] =	sst s6  }
0xf: {  	[smem:$0x3FA7] =	sst s7  }
0x10: {  	[smem:$0x3FA8] =	sst s8  }
0x11: {  	[smem:$0x3FA9] =	sst s9;
	s0 =	simm.s32 @!p0 $0x0  }
0x12: {  	s1 =	sld [smem:$0x3F8F];
	s0 =	simm.s32 @p0 $0x1  }
0x13: {  	[smem:$0x3FAA] =	sst s0;
	s0 =	simm.s32 @!p1 $0x0  }
0x14: {  	s2 =	sld [smem:$0x3F8E];
	s0 =	simm.s32 @p1 $0x1  }
0x15: {  	[smem:$0x3FAB] =	sst s0;
	s0 =	simm.s32 @!p2 $0x0  }
0x16: {  	s3 =	sld [smem:$0x3FDB];
	s0 =	simm.s32 @p2 $0x1  }
0x17: {  	s4 =	simm.s32 $0x1BF5;
	[smem:$0x3FAD] =	sst s0  }
0x18: {  	s0 =	sld [smem:$0x3F90];
	_ =	swait.ge [sflag:s4], $0x0  }
0x19: {  	s7 =	sld [smem:$0x3F91]  }
0x1a: {  	s8 =	sadd.s32 $0xFFFFE003, lr  }
0x1b: {  	s9 =	sadd.s32 $0xFFFFFEF7, lr;
	s5 =	simm.s32 $0xFFFFFFFF;
	p2 =	slt.u32 s8, $0xFFFFF086  }
0x1c: {  	p1 =	slt.u32 s9, $0xF7A;
	s5 =	simm.s32 @!p2 $0x0  }
0x1d: {  	s5 =	simm.s32 @p1 $0x1;
	p0 =	seq.s32 s7, s2  }
0x1e: {  	s7 =	smul.u32 @!p0 $0xF7A, s2;
	p2 =	seq.s32 @!p0 s5, $0x0  }
0x1f: {  	s9 =	smul.u32 $0xF7A, s1;
	s8 =	simm.s32 @!p0 $0x1BF5;
	p2 =	por !p2, p0  }
0x20: {  	[sflag:s8] =	ssyncset.s32 @!p0 $0xFFFFF086;
	s6 =	sadd.s32 @!p0 s3, s7;
	s7 =	simm.s32 @!p0 $0x108  }
0x21: {  	s3 =	sadd.s32 s3, s9;
	s6 =	sadd.s32 @!p0 $0x88, s6;
	s7 =	simm.s32 @p2 $0x1082  }
0x22: {  	[simem:s7], [sflag:s8] =	dma.local @!p0 [hbm:s6], $0xF7A  }
0x23: {  	s9 =	sor.u32 $0xD0000000, s2;
	s6 =	simm.s32 $0x108;
	_ =	swait.ge @!p0 [sflag:s8], $0x0  }
0x24: {  	s3 =	sadd.s32 $0x88, s3;
	s6 =	simm.s32 @!p1 $0x1082;
	[sflag:s4] =	ssyncset.s32 $0xFFFFF086  }
0x25: {  	[simem:s6], [sflag:s4] =	dma.local [hbm:s3], $0xF7A  }
0x26: {  	[smem:$0x3F91] =	sst s1;
	(tag) =	ssettag s2;
	_ =	strace s9  }
0x27: {  	s1 =	sld [smem:$0x3FA1]  }
0x28: {  	s2 =	sld [smem:$0x3FA2]  }
0x29: {  	s4 =	sld [smem:$0x3FA4]  }
0x2a: {  	p0 =	seq.s32 s5, $0x0;
	s5 =	sld [smem:$0x3FA5]  }
0x2b: {  	s6 =	sld [smem:$0x3FA6]  }
0x2c: {  	s7 =	sld [smem:$0x3FA7]  }
0x2d: {  	s3 =	simm.s32 $0x108;
	s8 =	sld [smem:$0x3FA8]  }
0x2e: {  	s3 =	simm.s32 @!p0 $0x1082;
	s9 =	sld [smem:$0x3FA9]  }
0x2f: {  	lr =	sadd.s32 s0, s3;
	s0 =	sld [smem:$0x3FA0]  }
0x30: {  	s3 =	sld [smem:$0x3FA3]  }
0x31: {  	[smem:$0x3FAC] =	sst s10  }
0x32: {  	s10 =	sld [smem:$0x3FAA];
	_ =	sdelay $0x3  }
0x33: {  	p0 =	seq.s32 s10, $0x1;
	s10 =	sld [smem:$0x3FAC];
	_ =	sdelay $0x3  }
0x34: {  	[smem:$0x3FAC] =	sst s10  }
0x35: {  	s10 =	sld [smem:$0x3FAB];
	_ =	sdelay $0x3  }
0x36: {  	p1 =	seq.s32 s10, $0x1;
	s10 =	sld [smem:$0x3FAC];
	_ =	sdelay $0x3  }
0x37: {  	[smem:$0x3FAC] =	sst s10  }
0x38: {  	s10 =	sld [smem:$0x3FAD]  }
0x39: {  	_ = 	snop;
	(pc) =	sbr.ind lr, $3  }
0x3a: {  	_ = 	snop  }
0x3b: {  	_ = 	snop  }
0x3c: {  	p2 =	seq.s32 s10, $0x1;
	s10 =	sld [smem:$0x3FAC]  }
0x3d: {  	_ =	shalt  }
0x3e: {  	_ =	shalt  }
0x3f: {  	_ =	shalt  }
0x40: {  	_ =	shalt  }
0x41: {  	_ =	shalt  }
0x42: {  	_ =	shalt  }
0x43: {  	_ =	shalt  }
0x44: {  	_ =	shalt  }
0x45: {  	_ =	shalt  }
0x46: {  	_ =	shalt  }
0x47: {  	_ =	shalt  }
0x48: {  	_ =	shalt  }
0x49: {  	_ =	shalt  }
0x4a: {  	_ =	shalt  }
0x4b: {  	_ =	shalt  }
0x4c: {  	_ =	shalt  }
0x4d: {  	_ =	shalt  }
0x4e: {  	_ =	shalt  }
0x4f: {  	_ =	shalt  }
0x50: {  	_ =	shalt  }
0x51: {  	_ =	shalt  }
0x52: {  	_ =	shalt  }
0x53: {  	_ =	shalt  }
0x54: {  	_ =	shalt  }
0x55: {  	_ =	shalt  }
0x56: {  	_ =	shalt  }
0x57: {  	_ =	shalt  }
0x58: {  	_ =	shalt  }
0x59: {  	_ =	shalt  }
0x5a: {  	_ =	shalt  }
0x5b: {  	_ =	shalt  }
0x5c: {  	_ =	shalt  }
0x5d: {  	_ =	shalt  }
0x5e: {  	_ =	shalt  }
0x5f: {  	_ =	shalt  }
0x60: {  	_ =	shalt  }
0x61: {  	_ =	shalt  }
0x62: {  	_ =	shalt  }
0x63: {  	_ =	shalt  }
0x64: {  	_ =	shalt  }
0x65: {  	_ =	shalt  }
0x66: {  	_ =	shalt  }
0x67: {  	_ =	shalt  }
0x68: {  	_ =	shalt  }
0x69: {  	_ =	shalt  }
0x6a: {  	_ =	shalt  }
0x6b: {  	_ =	shalt  }
0x6c: {  	_ =	shalt  }
0x6d: {  	_ =	shalt  }
0x6e: {  	_ =	shalt  }
0x6f: {  	_ =	shalt  }
0x70: {  	_ =	shalt  }
0x71: {  	_ =	shalt  }
0x72: {  	_ =	shalt  }
0x73: {  	_ =	shalt  }
0x74: {  	_ =	shalt  }
0x75: {  	_ =	shalt  }
0x76: {  	_ =	shalt  }
0x77: {  	_ =	shalt  }
0x78: {  	_ =	shalt  }
0x79: {  	_ =	shalt  }
0x7a: {  	_ =	shalt  }
0x7b: {  	_ =	shalt  }
0x7c: {  	_ =	shalt  }
0x7d: {  	_ =	shalt  }
0x7e: {  	_ =	shalt  }
0x7f: {  	_ =	shalt  }
0x80: {  	_ =	shalt  }
0x81: {  	_ =	shalt  }
0x82: {  	_ =	shalt  }
0x83: {  	_ =	shalt  }
0x84: {  	_ =	shalt  }
0x85: {  	_ =	shalt  }
0x86: {  	_ =	shalt  }
0x87: {  	_ =	shalt  }
.Lfunc_end0:
.L_simem_size_0:
called_computation.3_lowered:
.L_overlay_start_0:
0x88: {  	s2 =	sld [smem:$0x3FD9]  }
0x89: {  	s3 =	sld [smem:$0x3FFE];
	_ =	sdelay $0x1  }
0x8a: {  	s1 =	srdreg.scid  }
0x8b: {  	s0 =	sand.u32 $0x1, s1  }
0x8c: {  	s14 =	sshll.u32 s0, $0xA;
	s2 =	sadd.s32 s3, s2  }
0x8d: {  	s2 =	sadd.s32 s2, s14  }
0x8e: {  	[smem:$0x3FB8] =	sst s2  }
0x8f: {  	_ = 	snop  }
0x90: {  	s2 =	sld [smem:$0x3FD0];
	_ =	sdelay $0x2  }
0x91: {  	s15 =	simm.s32 $0xA;
	s4 =	simm.s32 $0x10  }
0x92: {  	[smem:s4], [sflag:s15] =	dma.local [hbm:s2], $0x1  }
0x93: {  	_ =	swait.eq [sflag:s15], $0x1  }
0x94: {  	[sflag:s15] =	ssyncset.done $0x0  }
0x95: {  	[sflag:s15] =	ssyncadd.s32 $0xFFFFFFFF  }
0x96: {  	s16 =	sld [smem:$0x11];
	(tm) =	ssettm $0x1  }
0x97: {  	s17 =	sld [smem:$0x3FFB];
	_ =	sdelay $0x3  }
0x98: {  	_ =	strace s17  }
0x99: {  	s3 =	sld [smem:$0x3FFC];
	_ =	sdelay $0x3  }
0x9a: {  	_ =	strace s3  }
0x9b: {  	s3 =	sld [smem:$0x3FFD];
	_ =	sdelay $0x3  }
0x9c: {  	_ =	strace s3  }
0x9d: {  	_ =	strace $0x8FFFFFFF  }
0x9e: {  	s18 =	sld [smem:$0x3FDB];
	_ =	sdelay $0x1  }
0x9f: {  	s19 =	simm.s32 $_scs_section_size  }
0xa0: {  	s5 =	simm.s32 $_size__tile_overlayer_lowered;
	s6 =	simm.s32 $_tile_overlayer_lowered  }
0xa1: {  	s22 =	simm.s32 $0x1BFF;
	s21 =	sshll.u32 s6, $0x1;
	s3 =	sadd.s32 s19, s18  }
0xa2: {  	s7 =	simm.s32 $0x0;
	s20 =	sshll.u32 s5, $0x1;
	s5 =	sadd.s32 s21, s3  }
0xa3: {  	[timem:s7], [sflag:s22] =	dma.local [hbm:s5], s20  }
0xa4: {  	_ =	swait.ge [sflag:s22], s20  }
0xa5: {  	s4 =	ssub.s32 $0x0, s20;
	[sflag:s22] =	ssyncset.done $0x0  }
0xa6: {  	[sflag:s22] =	ssyncadd.s32 s4;
	_ =	sdelay $0x1  }
0xa7: {  	s23 =	simm.s32 $0x1B8B  }
0xa8: {  	_ =	swait.ge [sflag:s23], $0x1  }
0xa9: {  	[sflag:s23] =	ssyncset.done $0x0  }
0xaa: {  	s25 =	simm.s32 $0x1B8E;
	s24 =	sld [smem:$0x3FFE];
	[sflag:s23] =	ssyncadd.s32 $0xFFFFFFFF  }
0xab: {  	s26 =	simm.s32 $execute0_lowered;
	[smem:$0x3FD2] =	sst s25  }
0xac: {  	s5 =	sshll.u32 s26, $0x1;
	_ =	strace $0x8000004F;
	[dreg:$0x1] =	wrdreg $0xFFFFFFFF  }
0xad: {  	s28 =	simm.s32 $_size_execute0_lowered;
	s3 =	sadd.s32 s3, s5;
	[dreg:$0x0] =	wrdreg $0x0  }
0xae: {  	s5 =	sshll.u32 s28, $0x1;
	[dreg:$0x2] =	wrdreg s3  }
0xaf: {  	[dreg:$0x3] =	wrdreg s5  }
0xb0: {  	[dreg:$0x4] =	wrdreg $0xC0  }
0xb1: {  	_ =	task [dreg:s7], $0x5FFFF  }
0xb2: {  	[dreg:$0x1] =	wrdreg $0xFFFFFFFF  }
0xb3: {  	[dreg:$0x0] =	wrdreg $0x60  }
0xb4: {  	[dreg:$0x2] =	wrdreg s24  }
0xb5: {  	[dreg:$0x3] =	wrdreg s16  }
0xb6: {  	[dreg:$0x4] =	wrdreg $0xB8000  }
0xb7: {  	[dreg:$0x5] =	wrdreg $0x9  }
0xb8: {  	_ =	task.clear_ibuf [dreg:s7], $0x6FFFF;
	_ =	strace $0x9000004F  }
0xb9: {  	s29 =	simm.s32 $0x9;
	_ =	strace $0x80000051  }
0xba: {  	_ =	swait.ge [sflag:s29], $0x1  }
0xbb: {  	[sflag:s29] =	ssyncadd.s32 $0xFFFFFFFF  }
0xbc: {  	_ =	strace $0x90000051  }
0xbd: {  	_ =	sfence  }
0xbe: {  	s30 =	sld [smem:$0x0];
	_ =	sdelay $0x2  }
0xbf: {  	s31 =	sshll.u32 s1, $0xD;
	s1 =	sshrl.u32 s1, $0x2  }
0xc0: {  	s3 =	sand.u32 $0x4000, s31;
	s1 =	sadd.s32 s1, s30  }
0xc1: {  	s0 =	sor.u32 s3, s0;
	s1 =	sshll.u32 s1, $0x11  }
0xc2: {  	s0 =	sor.u32 s1, s0  }
0xc3: {  	s0 =	sadd.s32 $0x8F2B, s0  }
0xc4: {  	[sflag:s0] =	ssyncadd.remote.s32 $0x1  }
0xc5: {  	_ =	sfence.sel $0xFFFF  }
0xc6: {  	[dreg:$0x0] =	wrdreg $0xFFFFFFFF;
	(pc) =	sbr.abs _section_cstart, $3  }
0xc7: {  	[dreg:$0x1] =	wrdreg $0xFFFFFFFF  }
0xc8: {  	_ =	task.clear_ibuf [dreg:s7], $0x2FFFF;
	_ =	strace $0x9FFFFFFF  }
0xc9: {  	(tm) =	ssettm $0x7FFFFFFF  }
tec
execute0_lowered:
.L_overlay_start_1:
0x0: {  	(tag) =	ssettag $0x1  }
0x1: {  	s5 =	rddreg [dreg:$0x0]  }
0x2: {  	s7 =	rddreg [dreg:$0x1]  }
0x3: {  	s2 =	rddreg [dreg:$0x2]  }
0x4: {  	s1 =	stileid.u32;
	s0 =	rddreg [dreg:$0x3]  }
0x5: {  	s4 =	srdreg.scid;
	s3 =	simm.s32 $0x0;
	s8 =	smul.u32 $0x780, s1  }
0x6: {  	s16 =	simm.s32 $0x7800;
	s17 =	simm.s32 $0x1;
	s6 =	smul.u32 $0x300, s1  }
0x7: {  	s9 =	smul.u32 $0x13C00, s1;
	s12 =	sand.u32 $0x1, s4;
	[smem:$0x7FF] =	sst s3  }
0x8: {  	s4 =	sadd.s32 $0x3600, s5;
	s30 =	smul.u32 $0x4F000, s1;
	s31 =	sshll.u32 s1, $0x6  }
0x9: {  	s10 =	smul.u32 $0x13C000, s12;
	_ =	strace $0x80000050;
	s28 =	ssub.s32 $0x2, s12  }
0xa: {  	p0 =	sne.s32 s12, $0x0;
	s12 =	sor.u32 $0x1C02, s31;
	s11 =	sadd.s32 s8, s5  }
0xb: {  	s6 =	sadd.s32 s6, s5;
	s13 =	sshrl.u32 s9, $0x3;
	s29 =	sshrl.u32 s28, $0x1  }
0xc: {  	s7 =	sadd.s32 s7, s8;
	s9 =	sadd.s32 s9, s10;
	s26 =	sadd.s32 s13, s5  }
.Ltmp0:
0xd: {  	s13 =	ssub.s32 s28, s29;
	s9 =	sshrl.u32 s9, $0x3;
	(pc) =	sbr.rel .LBB2_1-.Ltmp0, $4  }
0xe: {  	s8 =	sadd.s32 $0x7FE00, s11;
	s11 =	smax.u32 s13, $0x1;
	s14 =	sadd.s32 s9, s5  }
0xf: {  	s5 =	sadd.s32 $0x79E00, s6;
	s6 =	sadd.s32 $0x7CE00, s6;
	s9 =	sshrl.u32 s30, $0x2  }
0x10: {  	s15 =	sadd.s32 s9, s2;
	s9 =	sadd.s32 $0x2AE00, s26;
	s10 =	sadd.s32 $0x87600, s14  }
0x11: {  	s14 =	simm.s32 $0x2;
	s13 =	sshrl.u32 s15, $0x3;
	s15 =	simm.s32 $0x80  }
.LBB2_7:
0x12: {  	s18 =	sshra.s32 s18, $0x2;
	[sflag:s14] =	ssyncadd.s32 $0xFFFFC000  }
0x13: {  	[tilespmem:s16], [sflag:$0x1] =	stream.indirect.gather [hbm4b:s4+s15], $0x80, s18, s15, $0xb8;
	[tilespmem:$0x1F400] =	vst v63  }
0x14: {  	_ =	swait.ge [sflag:s17], $0x4000  }
0x15: {  	[sflag:s17] =	ssyncset.done $0x0  }
0x16: {  	s18 =	sadd.s32 $0x3C00, s18;
	[sflag:s17] =	ssyncadd.s32 $0xFFFFC000  }
0x17: {  	[spmem:s2] =	stream.indirect.scatter.add.f32 [tilespmem:s16], [sflag:$0x2], $0x80, s18, s15, $0xb8;
	[tilespmem:$0x1F400] =	vst v63  }
0x18: {  	_ =	swait.ge [sflag:s14], $0x4000  }
0x19: {  	[sflag:s14] =	ssyncset.done $0x0  }
0x1a: {  	[sflag:s14] =	ssyncadd.s32 $0xFFFFC000  }
.LBB2_8:
0x1b: {  	s3 =	sadd.s32 $0x1, s3  }
0x1c: {  	p1 =	sne.s32 s3, s11  }
.Ltmp1:
0x1d: {  	[bflag:$0x0] =	sbarrier.arrive $0xFFFF;
	(pc) =	sbr.rel @!p1 .LBB2_9-.Ltmp1, $4  }
0x1e: {  	[hbm:s10], [sflag:s12] =	dma.local [spmem:s13], $0x2780  }
0x1f: {  	_ =	swait.ge [sflag:s14], $0x2780  }
0x20: {  	[sflag:s14] =	ssyncset.done $0x0  }
0x21: {  	[sflag:s14] =	ssyncadd.s32 $0xFFFFD880  }
.LBB2_1:
0x22: {  	s18 =	simm.s32 @p0 $0x0;
	s19 =	simm.s32 @p0 $0x2  }
0x23: {  	[tilespmem:s18], [sflag:$0x2] =	stream.linear.gather @p0 [hbm4b:s5+s18], $0x1700, $0x38;
	[tilespmem:$0x1F400] =	vst v63  }
0x24: {  	_ =	swait.ge @p0 [sflag:s19], $0x1700  }
0x25: {  	[sflag:s19] =	ssyncset.done @p0 $0x0  }
0x26: {  	s20 =	simm.s32 @p0 $0x3C00;
	[sflag:s19] =	ssyncadd.s32 @p0 $0xFFFFE900  }
0x27: {  	[tilespmem:s20], [sflag:$0x2] =	stream.linear.gather @p0 [hbm4b:s6+s18], $0x1700, $0x38;
	[tilespmem:$0x1F400] =	vst v63  }
0x28: {  	_ =	swait.ge @p0 [sflag:s19], $0x1700  }
0x29: {  	[sflag:s19] =	ssyncset.done @p0 $0x0  }
0x2a: {  	s18 =	simm.s32 @!p0 $0x0;
	[sflag:s19] =	ssyncadd.s32 @p0 $0xFFFFE900;
	s19 =	simm.s32 @!p0 $0x2  }
0x2b: {  	[tilespmem:s18], [sflag:$0x2] =	stream.linear.gather @!p0 [hbm4b:s7+s18], $0x3900, $0x38;
	[tilespmem:$0x1F400] =	vst v63  }
0x2c: {  	_ =	swait.ge @!p0 [sflag:s19], $0x3900  }
0x2d: {  	[sflag:s19] =	ssyncset.done @!p0 $0x0  }
0x2e: {  	s20 =	simm.s32 @!p0 $0x3C00;
	[sflag:s19] =	ssyncadd.s32 @!p0 $0xFFFFC700  }
0x2f: {  	[tilespmem:s20], [sflag:$0x2] =	stream.linear.gather @!p0 [hbm4b:s8+s18], $0x3900, $0x38;
	[tilespmem:$0x1F400] =	vst v63  }
0x30: {  	_ =	swait.ge @!p0 [sflag:s19], $0x3900  }
0x31: {  	[sflag:s19] =	ssyncset.done @!p0 $0x0  }
0x32: {  	[sflag:s19] =	ssyncadd.s32 @!p0 $0xFFFFC700  }
0x33: {  	[spmem:s13], [sflag:s12] =	dma.local [hbm:s9], $0x2780  }
.Ltmp2:
0x34: {  	_ =	swait.ge [sflag:s14], $0x2780;
	(pc) =	sbr.rel @p0 .LBB2_5-.Ltmp2, $4  }
0x35: {  	[sflag:s14] =	ssyncset.done $0x0  }
0x36: {  	[sflag:s14] =	ssyncadd.s32 $0xFFFFD880  }
0x37: {  	[bflag:$0x0] =	sbarrier.arrive $0xFFFF  }
0x38: {  	s18 =	simm.s32 $0x0  }
0x39: {  	[tilespmem:s16], [sflag:$0x1] =	stream.indirect.gather [hbm4b:s4+s15], $0x80, s18, s15, $0xb8;
	[tilespmem:$0x1F400] =	vst v63  }
0x3a: {  	_ =	swait.ge [sflag:s17], $0x4000  }
0x3b: {  	[sflag:s17] =	ssyncset.done $0x0  }
0x3c: {  	s31 =	simm.s32 $0x3C00;
	[sflag:s17] =	ssyncadd.s32 $0xFFFFC000  }
0x3d: {  	[spmem:s2] =	stream.indirect.scatter.add.f32 [tilespmem:s16], [sflag:$0x2], $0x80, s31, s15, $0xb8;
	[tilespmem:$0x1F400] =	vst v63  }
0x3e: {  	_ =	swait.ge [sflag:s14], $0x4000  }
0x3f: {  	s18 =	simm.s32 $0x200;
	s19 =	simm.s32 $0x400;
	[sflag:s14] =	ssyncset.done $0x0  }
.LBB2_3:
0x40: {  	s20 =	sshra.s32 s18, $0x2  }
0x41: {  	[sflag:s14] =	ssyncadd.s32 $0xFFFFC000;
	s18 =	smov.u32 s19;
	s21 =	sadd.s32 $0x200, s19  }
0x42: {  	[tilespmem:s16], [sflag:$0x1] =	stream.indirect.gather [hbm4b:s4+s15], $0x80, s20, s15, $0xb8;
	[tilespmem:$0x1F400] =	vst v63  }
0x43: {  	p1 =	seq.s32 s19, $0xE200;
	_ =	swait.ge [sflag:s17], $0x4000  }
.Ltmp3:
0x44: {  	[sflag:s17] =	ssyncset.done $0x0;
	(pc) =	sbr.rel @!p1 .LBB2_3-.Ltmp3, $4  }
0x45: {  	s19 =	sadd.s32 $0x3C00, s20;
	[sflag:s17] =	ssyncadd.s32 $0xFFFFC000  }
0x46: {  	[spmem:s2] =	stream.indirect.scatter.add.f32 [tilespmem:s16], [sflag:$0x2], $0x80, s19, s15, $0xb8;
	[tilespmem:$0x1F400] =	vst v63  }
0x47: {  	_ =	swait.ge [sflag:s14], $0x4000  }
0x48: {  	s19 =	smov.u32 s21;
	[sflag:s14] =	ssyncset.done $0x0  }
0x49: {  	s18 =	sshra.s32 s18, $0x2;
	[sflag:s14] =	ssyncadd.s32 $0xFFFFC000  }
0x4a: {  	[tilespmem:s16], [sflag:$0x1] =	stream.indirect.gather [hbm4b:s4+s15], $0x80, s18, s15, $0xb8;
	[tilespmem:$0x1F400] =	vst v63  }
0x4b: {  	_ =	swait.ge [sflag:s17], $0x4000  }
0x4c: {  	[sflag:s17] =	ssyncset.done $0x0  }
.Ltmp4:
0x4d: {  	s18 =	sadd.s32 $0x3C00, s18;
	[sflag:s17] =	ssyncadd.s32 $0xFFFFC000;
	(pc) =	sbr.rel .LBB2_8-.Ltmp4, $4  }
0x4e: {  	[spmem:s2] =	stream.indirect.scatter.add.f32 [tilespmem:s16], [sflag:$0x2], $0x80, s18, s15, $0xb8;
	[tilespmem:$0x1F400] =	vst v63  }
0x4f: {  	_ =	swait.ge [sflag:s14], $0x4000  }
0x50: {  	[sflag:s14] =	ssyncset.done $0x0  }
0x51: {  	[sflag:s14] =	ssyncadd.s32 $0xFFFFC000  }
.LBB2_5:
0x52: {  	[tilespmem:s16], [sflag:$0x1] =	stream.indirect.gather [hbm4b:s4+s15], $0x80, s18, s15, $0xb8;
	[tilespmem:$0x1F400] =	vst v63  }
0x53: {  	_ =	swait.ge [sflag:s17], $0x4000  }
0x54: {  	[sflag:s17] =	ssyncset.done $0x0  }
0x55: {  	s31 =	simm.s32 $0x3C00;
	[sflag:s17] =	ssyncadd.s32 $0xFFFFC000  }
0x56: {  	[spmem:s2] =	stream.indirect.scatter.add.f32 [tilespmem:s16], [sflag:$0x2], $0x80, s31, s15, $0xb8;
	[tilespmem:$0x1F400] =	vst v63  }
0x57: {  	_ =	swait.ge [sflag:s14], $0x4000  }
0x58: {  	s18 =	simm.s32 $0x200;
	s19 =	simm.s32 $0x400;
	[sflag:s14] =	ssyncset.done $0x0  }
.LBB2_6:
0x59: {  	s20 =	sshra.s32 s18, $0x2  }
0x5a: {  	[sflag:s14] =	ssyncadd.s32 $0xFFFFC000;
	s18 =	smov.u32 s19;
	s21 =	sadd.s32 $0x200, s19  }
0x5b: {  	[tilespmem:s16], [sflag:$0x1] =	stream.indirect.gather [hbm4b:s4+s15], $0x80, s20, s15, $0xb8;
	[tilespmem:$0x1F400] =	vst v63  }
0x5c: {  	p1 =	sne.s32 s19, $0x5A00;
	_ =	swait.ge [sflag:s17], $0x4000  }
.Ltmp5:
0x5d: {  	[sflag:s17] =	ssyncset.done $0x0;
	(pc) =	sbr.rel @p1 .LBB2_6-.Ltmp5, $4  }
0x5e: {  	s19 =	sadd.s32 $0x3C00, s20;
	[sflag:s17] =	ssyncadd.s32 $0xFFFFC000  }
0x5f: {  	[spmem:s2] =	stream.indirect.scatter.add.f32 [tilespmem:s16], [sflag:$0x2], $0x80, s19, s15, $0xb8;
	[tilespmem:$0x1F400] =	vst v63  }
0x60: {  	_ =	swait.ge [sflag:s14], $0x4000  }
0x61: {  	s19 =	smov.u32 s21;
	[sflag:s14] =	ssyncset.done $0x0  }
.Ltmp6:
0x62: {  	_ = 	snop;
	(pc) =	sbr.rel .LBB2_7-.Ltmp6, $1  }
0x63: {  	_ =	sdelay $0x3  }
.LBB2_9:
0x64: {  	_ =	sfence.sel $0x180000  }
0x65: {  	[bflag:$0x0] =	sbarrier.arrive $0xFFFF  }
0x66: {  	p0 =	sne.s32 s1, $0x0;
	_ =	strace $0x90000050  }
0x67: {  	s0 =	sadd.s32 @!p0 $0x100000, s0;
	[bflag:$0x2] =	sbarrier.arrive $0xFFFF  }
0x68: {  	[sflag:s0] =	ssyncadd.tile.s32 @!p0 $0x1;
	_ =	shalt  }
.Lfunc_end2:
_tile_overlayer_lowered:
.L_overlay_start_2:
0x69: {  	(tag) =	ssettag $0x2  }
0x6a: {  	s0 =	rddreg [dreg:$0x0];
	s2 =	stileid.u32  }
0x6b: {  	s1 =	rddreg [dreg:$0x1];
	p0 =	sne.s32 s2, $0x0  }
0x6c: {  	s3 =	rddreg [dreg:$0x2];
	[bflag:$0x3] =	sbarrier.arrive $0xFFFF;
	s2 =	simm.s32 @!p0 $0x1C02  }
0x6d: {  	[timem:s3], [sflag:s2] =	dma.local @!p0 [hbm:s0], s1  }
0x6e: {  	s0 =	simm.s32 @!p0 $0x2  }
0x6f: {  	_ =	swait.ge @!p0 [sflag:s0], s1  }
0x70: {  	s1 =	ssub.s32 @!p0 $0x0, s1;
	[sflag:s0] =	ssyncset.done @!p0 $0x0  }
0x71: {  	[sflag:s0] =	ssyncadd.s32 @!p0 s1  }
0x72: {  	[bflag:$0x3] =	sbarrier.arrive $0xFFFF  }
0x73: {  	_ =	shalt  }

</sc_bundles>
